<compile_context>
chip_gen: v7x
topology: tpu7x:2x2x1
jax: 0.10.2.dev20260603
libtpu: 0.0.44.dev20260713+nightly
codegen_flags: <defaults>
</compile_context>

<pallas_src>
import functools

import jax
import jax.numpy as jnp
from jax import lax
from jax.experimental import pallas as pl
from jax.experimental.pallas import tpu as pltpu
from jax.experimental.pallas import tpu_sc as plsc

B = 64
N = 1024
D = 2048
L = 256
NC = 2
NS = 16
NW = NC * NS
DW = D // NW
DWW = DW // 4
G = 4

_mesh = plsc.VectorSubcoreMesh(
    core_axis_name="c", subcore_axis_name="s", num_cores=NC, num_subcores=NS
)


@functools.partial(
    pl.kernel,
    out_type=jax.ShapeDtypeStruct((NW, B, 4, DW // 4), jnp.float32),
    mesh=_mesh,
    compiler_params=pltpu.CompilerParams(use_tc_tiling_on_sc=False),
    scratch_types=[
        pltpu.VMEM((G, N), jnp.float32),
        pltpu.VMEM((G, N), jnp.int32),
        pltpu.VMEM((N, 1, DWW), jnp.int32),
        pltpu.VMEM((L, 1, DWW), jnp.int32),
        pltpu.VMEM((B, 4, DW // 4), jnp.float32),
    ],
)
def _sc_encode(x_hbm, pos_hbm, val_hbm, out_hbm, xrow_v, idx_v, pos_v, val_v, out_v):
    c = lax.axis_index("c")
    s = lax.axis_index("s")
    wid = s * NC + c

    pltpu.sync_copy(pos_hbm.at[:, pl.ds(wid, 1), :], pos_v)
    pltpu.sync_copy(val_hbm.at[:, pl.ds(wid, 1), :], val_v)

    def group_body(bg, carry):
        pltpu.sync_copy(x_hbm.at[pl.ds(bg * G, G)], xrow_v)

        def qg(g, carry2):
            magic = jnp.float32(12582912.0)
            for k in range(G):
                v = xrow_v[k, pl.ds(g * 16, 16)] * 255.0
                r = ((v + magic) - magic).astype(jnp.int32)
                r = jnp.minimum(jnp.maximum(r, 0), 255)
                idx_v[k, pl.ds(g * 16, 16)] = r
            return carry2

        lax.fori_loop(0, N // 16, qg, 0)

        def gbody(g, accs):
            accs = list(accs)
            ivs = [idx_v[k, pl.ds(g * 16, 16)] for k in range(G)]
            base = g * 16
            zz = jnp.zeros((DWW,), jnp.int32)
            a = [zz] * G
            for j in range(16):
                n = base + j
                p = pos_v[n, 0, pl.ds(0, DWW)]
                for k in range(G):
                    r = ivs[k][j]
                    a[k] = a[k] + (p ^ val_v[r, 0, pl.ds(0, DWW)])
            mff = jnp.int32(0xFF)
            for k in range(G):
                w = a[k]
                accs[4 * k] = accs[4 * k] + (w & mff)
                accs[4 * k + 1] = accs[4 * k + 1] + (
                    lax.shift_right_logical(w, 8) & mff
                )
                accs[4 * k + 2] = accs[4 * k + 2] + (
                    lax.shift_right_logical(w, 16) & mff
                )
                accs[4 * k + 3] = accs[4 * k + 3] + lax.shift_right_logical(w, 24)
            return tuple(accs)

        z = jnp.zeros((16,), jnp.int32)
        accs = lax.fori_loop(0, N // 16, gbody, (z,) * (4 * G))
        big = jnp.int32(1023)
        for k in range(G):
            for q in range(4):
                cnt = accs[4 * k + q]
                sq = (big - cnt - cnt).astype(jnp.float32)
                sq = jnp.maximum(jnp.minimum(sq, 1.0), -1.0)
                out_v[bg * G + k, q, pl.ds(0, 16)] = sq
        return carry

    lax.fori_loop(0, B // G, group_body, 0)
    pltpu.sync_copy(out_v, out_hbm.at[wid])


def kernel(x, position_weight, value_weight):
    xf = x.reshape(B, N)
    pos01 = (position_weight < 0).astype(jnp.int8)
    val01 = (value_weight < 0).astype(jnp.int8)
    pos32 = lax.bitcast_convert_type(pos01.reshape(N, D // 4, 4), jnp.int32)
    val32 = lax.bitcast_convert_type(val01.reshape(L, D // 4, 4), jnp.int32)
    pos32 = pos32.reshape(N, NW, DWW)
    val32 = val32.reshape(L, NW, DWW)
    out_t = _sc_encode(xf, pos32, val32)
    return out_t.transpose(1, 0, 3, 2).reshape(B, D)

# --- scband reference (transcript-rebuilt; emitter-appended) ---
"""Pipeline reference for scband-base-level-encoder-71674414235924 (READ-ONLY COPY).

The authoritative reference and input builder live on the scoring server;
editing this copy changes nothing except your own understanding.
"""

import jax, jax.numpy as jnp
import numpy as np

OUT_FEATURES = 2048
SIZE = 32
LEVELS = 256
BATCH = 64


def setup_inputs(seed: int = 0) -> dict:
    key = jax.random.key(seed)
    k1, k2, k3, k4 = jax.random.split(key, 4)
    # forward input: values in [0, 1] (Level embedding default low=0.0, high=1.0)
    x = jax.random.uniform(k1, (BATCH, SIZE, SIZE), dtype=jnp.float32)
    # torchhd.embeddings.Random: random bipolar (+1/-1) position hypervectors
    position_weight = jnp.where(
        jax.random.bernoulli(k2, 0.5, (SIZE * SIZE, OUT_FEATURES)), 1.0, -1.0
    ).astype(jnp.float32)
    # torchhd.embeddings.Level: level hypervectors built by progressively flipping
    # components of a random base vector as the level increases
    base = jax.random.bernoulli(k3, 0.5, (OUT_FEATURES,))
    thresholds = jax.random.uniform(k4, (OUT_FEATURES,), dtype=jnp.float32)
    span = jnp.linspace(0.0, 1.0, LEVELS, dtype=jnp.float32)[:, None]
    flip = span >= thresholds[None, :]
    value_weight = jnp.where(jnp.logical_xor(base[None, :], flip), 1.0, -1.0).astype(
        jnp.float32
    )
    return {"x": x, "position_weight": position_weight, "value_weight": value_weight}


def reference(x, position_weight, value_weight):
    B = x.shape[0]
    # Flatten
    flat = x.reshape(B, -1)  # [B, SIZE*SIZE]
    # Level embedding: value_to_index (low=0, high=1), clamp, gather
    idx = jnp.clip(jnp.round(flat * (LEVELS - 1)), 0, LEVELS - 1).astype(jnp.int32)
    val_hv = jnp.take(value_weight, idx, axis=0)  # [B, SIZE*SIZE, D]
    # bind (MAP VSA): elementwise multiply with position hypervectors
    bound = position_weight[None, :, :] * val_hv  # [B, SIZE*SIZE, D]
    # multiset: sum over the hypervector set dimension
    ms = jnp.sum(bound, axis=-2)  # [B, D]
    # hard_quantize: sign to +1/-1
    return jnp.where(ms > 0, 1.0, -1.0).astype(jnp.float32)

if __name__ == "__main__":
    import jax
    _d = setup_inputs()
    print(jax.jit(kernel)(*tuple(_d.values())))

</pallas_src>

<mosaic_0001>
#map = affine_map<(d0, d1) -> (0, 0)>
#map1 = affine_map<(d0, d1) -> (0, 0, 0)>
#map2 = affine_map<(d0, d1) -> (0, 0, 0, 0)>
module attributes {stable_mosaic.version = 14 : i64} {
  func.func @_sc_encode(%arg0: i32, %arg1: i32, %arg2: memref<64x1024xf32, #tpu.memory_space<hbm>>, %arg3: memref<1024x32x16xi32, #tpu.memory_space<hbm>>, %arg4: memref<256x32x16xi32, #tpu.memory_space<hbm>>, %arg5: memref<32x64x4x16xf32, #tpu.memory_space<hbm>>, %arg6: memref<4x1024xf32, #tpu.memory_space<vmem>>, %arg7: memref<4x1024xi32, #tpu.memory_space<vmem>>, %arg8: memref<1024x1x16xi32, #tpu.memory_space<vmem>>, %arg9: memref<256x1x16xi32, #tpu.memory_space<vmem>>, %arg10: memref<64x4x16xf32, #tpu.memory_space<vmem>>) attributes {dimension_semantics = [#tpu.dimension_semantics<core_parallel>, #tpu.dimension_semantics<subcore_parallel>], iteration_bounds = array<i64: 2, 16>, scalar_prefetch = 0 : i64, scratch_operands = 5 : i64, tpu.core_type = #tpu.core_type<sc_vector_subcore>, window_params = [{transform_indices = #map}, {transform_indices = #map1}, {transform_indices = #map1}, {transform_indices = #map2}]} {
    %mul3A = arith.constant 2 : i32
    %mul3A_0 = arith.muli %arg1, %mul3A : i32
    %add3A = arith.addi %mul3A_0, %arg0 : i32
    "tpu.region"() ({
      %run_scoped3A = tpu.sem_alloc : memref<!tpu.dma_semaphore, #tpu.memory_space<semaphore_mem>>
      %dma_start3A = arith.constant 0 : i32
      %dma_start3A_6 = arith.constant 0 : i32
      %dma_start3A_7 = tpu.memref_slice %arg3[%dma_start3A, %add3A, %dma_start3A_6] : memref<1024x32x16xi32, #tpu.memory_space<hbm>> -> memref<1024x1x16xi32, #tpu.memory_space<hbm>>
      %dma_start3A_8 = arith.constant 0 : i32
      %dma_start3A_9 = arith.constant 0 : i32
      %dma_start3A_10 = tpu.memref_slice %arg3[%dma_start3A_8, %add3A, %dma_start3A_9] : memref<1024x32x16xi32, #tpu.memory_space<hbm>> -> memref<1024x1x16xi32, #tpu.memory_space<hbm>>
      tpu.enqueue_dma source(%dma_start3A_10 : memref<1024x1x16xi32, #tpu.memory_space<hbm>>) target(%arg8 : memref<1024x1x16xi32, #tpu.memory_space<vmem>>) target_semaphore(%run_scoped3A : memref<!tpu.dma_semaphore, #tpu.memory_space<semaphore_mem>>)
      %dma_wait3A = arith.constant 0 : i32
      %dma_wait3A_11 = arith.constant 0 : i32
      %dma_wait3A_12 = tpu.memref_slice %arg3[%dma_wait3A, %add3A, %dma_wait3A_11] : memref<1024x32x16xi32, #tpu.memory_space<hbm>> -> memref<1024x1x16xi32, #tpu.memory_space<hbm>>
      %dma_wait3A_13 = arith.constant 0 : i32
      %dma_wait3A_14 = arith.constant 0 : i32
      %dma_wait3A_15 = tpu.memref_slice %arg3[%dma_wait3A_13, %add3A, %dma_wait3A_14] : memref<1024x32x16xi32, #tpu.memory_space<hbm>> -> memref<1024x1x16xi32, #tpu.memory_space<hbm>>
      tpu.wait_dma2 semaphore(%run_scoped3A : memref<!tpu.dma_semaphore, #tpu.memory_space<semaphore_mem>>) src(%dma_wait3A_15 : memref<1024x1x16xi32, #tpu.memory_space<hbm>>) dst(%arg8 : memref<1024x1x16xi32, #tpu.memory_space<vmem>>)
      tpu.yield
    }) : () -> ()
    "tpu.region"() ({
      %run_scoped3A = tpu.sem_alloc : memref<!tpu.dma_semaphore, #tpu.memory_space<semaphore_mem>>
      %dma_start3A = arith.constant 0 : i32
      %dma_start3A_6 = arith.constant 0 : i32
      %dma_start3A_7 = tpu.memref_slice %arg4[%dma_start3A, %add3A, %dma_start3A_6] : memref<256x32x16xi32, #tpu.memory_space<hbm>> -> memref<256x1x16xi32, #tpu.memory_space<hbm>>
      %dma_start3A_8 = arith.constant 0 : i32
      %dma_start3A_9 = arith.constant 0 : i32
      %dma_start3A_10 = tpu.memref_slice %arg4[%dma_start3A_8, %add3A, %dma_start3A_9] : memref<256x32x16xi32, #tpu.memory_space<hbm>> -> memref<256x1x16xi32, #tpu.memory_space<hbm>>
      tpu.enqueue_dma source(%dma_start3A_10 : memref<256x1x16xi32, #tpu.memory_space<hbm>>) target(%arg9 : memref<256x1x16xi32, #tpu.memory_space<vmem>>) target_semaphore(%run_scoped3A : memref<!tpu.dma_semaphore, #tpu.memory_space<semaphore_mem>>)
      %dma_wait3A = arith.constant 0 : i32
      %dma_wait3A_11 = arith.constant 0 : i32
      %dma_wait3A_12 = tpu.memref_slice %arg4[%dma_wait3A, %add3A, %dma_wait3A_11] : memref<256x32x16xi32, #tpu.memory_space<hbm>> -> memref<256x1x16xi32, #tpu.memory_space<hbm>>
      %dma_wait3A_13 = arith.constant 0 : i32
      %dma_wait3A_14 = arith.constant 0 : i32
      %dma_wait3A_15 = tpu.memref_slice %arg4[%dma_wait3A_13, %add3A, %dma_wait3A_14] : memref<256x32x16xi32, #tpu.memory_space<hbm>> -> memref<256x1x16xi32, #tpu.memory_space<hbm>>
      tpu.wait_dma2 semaphore(%run_scoped3A : memref<!tpu.dma_semaphore, #tpu.memory_space<semaphore_mem>>) src(%dma_wait3A_15 : memref<256x1x16xi32, #tpu.memory_space<hbm>>) dst(%arg9 : memref<256x1x16xi32, #tpu.memory_space<vmem>>)
      tpu.yield
    }) : () -> ()
    %scan3A = arith.constant 0 : i32
    %scan3A_1 = arith.constant 0 : i32
    %scan3A_2 = arith.constant 16 : i32
    %scan3A_3 = arith.addi %scan3A_1, %scan3A_2 : i32
    %scan3A_4 = arith.constant 1 : i32
    scf.for %scan3A_6 = %scan3A_1 to %scan3A_3 step %scan3A_4  : i32 {
      %mul3A_7 = arith.constant 4 : i32
      %mul3A_8 = arith.muli %scan3A_6, %mul3A_7 : i32
      "tpu.region"() ({
        %run_scoped3A = tpu.sem_alloc : memref<!tpu.dma_semaphore, #tpu.memory_space<semaphore_mem>>
        %dma_start3A = arith.constant 0 : i32
        %dma_start3A_369 = tpu.memref_slice %arg2[%mul3A_8, %dma_start3A] : memref<64x1024xf32, #tpu.memory_space<hbm>> -> memref<4x1024xf32, #tpu.memory_space<hbm>>
        %dma_start3A_370 = arith.constant 0 : i32
        %dma_start3A_371 = tpu.memref_slice %arg2[%mul3A_8, %dma_start3A_370] : memref<64x1024xf32, #tpu.memory_space<hbm>> -> memref<4x1024xf32, #tpu.memory_space<hbm>>
        tpu.enqueue_dma source(%dma_start3A_371 : memref<4x1024xf32, #tpu.memory_space<hbm>>) target(%arg6 : memref<4x1024xf32, #tpu.memory_space<vmem>>) target_semaphore(%run_scoped3A : memref<!tpu.dma_semaphore, #tpu.memory_space<semaphore_mem>>)
        %dma_wait3A = arith.constant 0 : i32
        %dma_wait3A_372 = tpu.memref_slice %arg2[%mul3A_8, %dma_wait3A] : memref<64x1024xf32, #tpu.memory_space<hbm>> -> memref<4x1024xf32, #tpu.memory_space<hbm>>
        %dma_wait3A_373 = arith.constant 0 : i32
        %dma_wait3A_374 = tpu.memref_slice %arg2[%mul3A_8, %dma_wait3A_373] : memref<64x1024xf32, #tpu.memory_space<hbm>> -> memref<4x1024xf32, #tpu.memory_space<hbm>>
        tpu.wait_dma2 semaphore(%run_scoped3A : memref<!tpu.dma_semaphore, #tpu.memory_space<semaphore_mem>>) src(%dma_wait3A_374 : memref<4x1024xf32, #tpu.memory_space<hbm>>) dst(%arg6 : memref<4x1024xf32, #tpu.memory_space<vmem>>)
        tpu.yield
      }) : () -> ()
      %scan3A_9 = arith.constant 0 : i32
      %scan3A_10 = arith.constant 0 : i32
      %scan3A_11 = arith.constant 64 : i32
      %scan3A_12 = arith.addi %scan3A_10, %scan3A_11 : i32
      %scan3A_13 = arith.constant 1 : i32
      scf.for %scan3A_369 = %scan3A_10 to %scan3A_12 step %scan3A_13  : i32 {
        %mul3A_370 = arith.constant 16 : i32
        %mul3A_371 = arith.muli %scan3A_369, %mul3A_370 : i32
        %get3A = arith.constant 0 : i32
        %get3A_372 = arith.index_cast %get3A : i32 to index
        %get3A_373 = arith.index_cast %mul3A_371 : i32 to index
        %get3A_374 = tpu.vector_load %arg6[%get3A_372, %get3A_373] {strides = array<i32>} : memref<4x1024xf32, #tpu.memory_space<vmem>>, vector<1x16xf32>,
        %get3A_375 = vector.shape_cast %get3A_374 : vector<1x16xf32> to vector<16xf32>
        %mul3A_376 = arith.constant 2.550000e+02 : f32
        %mul3A_377 = vector.broadcast %mul3A_376 : f32 to vector<16xf32>
        %mul3A_378 = arith.mulf %get3A_375, %mul3A_377 : vector<16xf32>
        %add3A_379 = arith.constant 0x4B400000 : f32
        %add3A_380 = vector.broadcast %add3A_379 : f32 to vector<16xf32>
        %add3A_381 = arith.addf %mul3A_378, %add3A_380 : vector<16xf32>
        %sub3A_382 = arith.constant 0x4B400000 : f32
        %sub3A_383 = vector.broadcast %sub3A_382 : f32 to vector<16xf32>
        %sub3A_384 = arith.subf %add3A_381, %sub3A_383 : vector<16xf32>
        %convert_element_type3A_385 = arith.fptosi %sub3A_384 : vector<16xf32> to vector<16xi32>
        %max3A_386 = arith.constant 0 : i32
        %max3A_387 = vector.broadcast %max3A_386 : i32 to vector<16xi32>
        %max3A_388 = arith.maxsi %convert_element_type3A_385, %max3A_387 : vector<16xi32>
        %min3A_389 = arith.constant 255 : i32
        %min3A_390 = vector.broadcast %min3A_389 : i32 to vector<16xi32>
        %min3A_391 = arith.minsi %max3A_388, %min3A_390 : vector<16xi32>
        %mul3A_392 = arith.constant 16 : i32
        %mul3A_393 = arith.muli %scan3A_369, %mul3A_392 : i32
        %swap3A_394 = arith.constant 0 : i32
        %swap3A_395 = arith.index_cast %swap3A_394 : i32 to index
        %swap3A_396 = arith.index_cast %mul3A_393 : i32 to index
        %swap3A_397 = tpu.vector_load %arg7[%swap3A_395, %swap3A_396] {strides = array<i32>} : memref<4x1024xi32, #tpu.memory_space<vmem>>, vector<1x16xi32>,
        %swap3A_398 = vector.shape_cast %swap3A_397 : vector<1x16xi32> to vector<16xi32>
        %swap3A_399 = vector.shape_cast %min3A_391 : vector<16xi32> to vector<1x16xi32>
        tpu.vector_store %arg7[%swap3A_395, %swap3A_396], %swap3A_399 {strides = array<i32>} : memref<4x1024xi32, #tpu.memory_space<vmem>>, vector<1x16xi32>,
        %mul3A_400 = arith.constant 16 : i32
        %mul3A_401 = arith.muli %scan3A_369, %mul3A_400 : i32
        %get3A_402 = arith.constant 1 : i32
        %get3A_403 = arith.index_cast %get3A_402 : i32 to index
        %get3A_404 = arith.index_cast %mul3A_401 : i32 to index
        %get3A_405 = tpu.vector_load %arg6[%get3A_403, %get3A_404] {strides = array<i32>} : memref<4x1024xf32, #tpu.memory_space<vmem>>, vector<1x16xf32>,
        %get3A_406 = vector.shape_cast %get3A_405 : vector<1x16xf32> to vector<16xf32>
        %mul3A_407 = arith.constant 2.550000e+02 : f32
        %mul3A_408 = vector.broadcast %mul3A_407 : f32 to vector<16xf32>
        %mul3A_409 = arith.mulf %get3A_406, %mul3A_408 : vector<16xf32>
        %add3A_410 = arith.constant 0x4B400000 : f32
        %add3A_411 = vector.broadcast %add3A_410 : f32 to vector<16xf32>
        %add3A_412 = arith.addf %mul3A_409, %add3A_411 : vector<16xf32>
        %sub3A_413 = arith.constant 0x4B400000 : f32
        %sub3A_414 = vector.broadcast %sub3A_413 : f32 to vector<16xf32>
        %sub3A_415 = arith.subf %add3A_412, %sub3A_414 : vector<16xf32>
        %convert_element_type3A_416 = arith.fptosi %sub3A_415 : vector<16xf32> to vector<16xi32>
        %max3A_417 = arith.constant 0 : i32
        %max3A_418 = vector.broadcast %max3A_417 : i32 to vector<16xi32>
        %max3A_419 = arith.maxsi %convert_element_type3A_416, %max3A_418 : vector<16xi32>
        %min3A_420 = arith.constant 255 : i32
        %min3A_421 = vector.broadcast %min3A_420 : i32 to vector<16xi32>
        %min3A_422 = arith.minsi %max3A_419, %min3A_421 : vector<16xi32>
        %mul3A_423 = arith.constant 16 : i32
        %mul3A_424 = arith.muli %scan3A_369, %mul3A_423 : i32
        %swap3A_425 = arith.constant 1 : i32
        %swap3A_426 = arith.index_cast %swap3A_425 : i32 to index
        %swap3A_427 = arith.index_cast %mul3A_424 : i32 to index
        %swap3A_428 = tpu.vector_load %arg7[%swap3A_426, %swap3A_427] {strides = array<i32>} : memref<4x1024xi32, #tpu.memory_space<vmem>>, vector<1x16xi32>,
        %swap3A_429 = vector.shape_cast %swap3A_428 : vector<1x16xi32> to vector<16xi32>
        %swap3A_430 = vector.shape_cast %min3A_422 : vector<16xi32> to vector<1x16xi32>
        tpu.vector_store %arg7[%swap3A_426, %swap3A_427], %swap3A_430 {strides = array<i32>} : memref<4x1024xi32, #tpu.memory_space<vmem>>, vector<1x16xi32>,
        %mul3A_431 = arith.constant 16 : i32
        %mul3A_432 = arith.muli %scan3A_369, %mul3A_431 : i32
        %get3A_433 = arith.constant 2 : i32
        %get3A_434 = arith.index_cast %get3A_433 : i32 to index
        %get3A_435 = arith.index_cast %mul3A_432 : i32 to index
        %get3A_436 = tpu.vector_load %arg6[%get3A_434, %get3A_435] {strides = array<i32>} : memref<4x1024xf32, #tpu.memory_space<vmem>>, vector<1x16xf32>,
        %get3A_437 = vector.shape_cast %get3A_436 : vector<1x16xf32> to vector<16xf32>
        %mul3A_438 = arith.constant 2.550000e+02 : f32
        %mul3A_439 = vector.broadcast %mul3A_438 : f32 to vector<16xf32>
        %mul3A_440 = arith.mulf %get3A_437, %mul3A_439 : vector<16xf32>
        %add3A_441 = arith.constant 0x4B400000 : f32
        %add3A_442 = vector.broadcast %add3A_441 : f32 to vector<16xf32>
        %add3A_443 = arith.addf %mul3A_440, %add3A_442 : vector<16xf32>
        %sub3A_444 = arith.constant 0x4B400000 : f32
        %sub3A_445 = vector.broadcast %sub3A_444 : f32 to vector<16xf32>
        %sub3A_446 = arith.subf %add3A_443, %sub3A_445 : vector<16xf32>
        %convert_element_type3A_447 = arith.fptosi %sub3A_446 : vector<16xf32> to vector<16xi32>
        %max3A_448 = arith.constant 0 : i32
        %max3A_449 = vector.broadcast %max3A_448 : i32 to vector<16xi32>
        %max3A_450 = arith.maxsi %convert_element_type3A_447, %max3A_449 : vector<16xi32>
        %min3A_451 = arith.constant 255 : i32
        %min3A_452 = vector.broadcast %min3A_451 : i32 to vector<16xi32>
        %min3A_453 = arith.minsi %max3A_450, %min3A_452 : vector<16xi32>
        %mul3A_454 = arith.constant 16 : i32
        %mul3A_455 = arith.muli %scan3A_369, %mul3A_454 : i32
        %swap3A_456 = arith.constant 2 : i32
        %swap3A_457 = arith.index_cast %swap3A_456 : i32 to index
        %swap3A_458 = arith.index_cast %mul3A_455 : i32 to index
        %swap3A_459 = tpu.vector_load %arg7[%swap3A_457, %swap3A_458] {strides = array<i32>} : memref<4x1024xi32, #tpu.memory_space<vmem>>, vector<1x16xi32>,
        %swap3A_460 = vector.shape_cast %swap3A_459 : vector<1x16xi32> to vector<16xi32>
        %swap3A_461 = vector.shape_cast %min3A_453 : vector<16xi32> to vector<1x16xi32>
        tpu.vector_store %arg7[%swap3A_457, %swap3A_458], %swap3A_461 {strides = array<i32>} : memref<4x1024xi32, #tpu.memory_space<vmem>>, vector<1x16xi32>,
        %mul3A_462 = arith.constant 16 : i32
        %mul3A_463 = arith.muli %scan3A_369, %mul3A_462 : i32
        %get3A_464 = arith.constant 3 : i32
        %get3A_465 = arith.index_cast %get3A_464 : i32 to index
        %get3A_466 = arith.index_cast %mul3A_463 : i32 to index
        %get3A_467 = tpu.vector_load %arg6[%get3A_465, %get3A_466] {strides = array<i32>} : memref<4x1024xf32, #tpu.memory_space<vmem>>, vector<1x16xf32>,
        %get3A_468 = vector.shape_cast %get3A_467 : vector<1x16xf32> to vector<16xf32>
        %mul3A_469 = arith.constant 2.550000e+02 : f32
        %mul3A_470 = vector.broadcast %mul3A_469 : f32 to vector<16xf32>
        %mul3A_471 = arith.mulf %get3A_468, %mul3A_470 : vector<16xf32>
        %add3A_472 = arith.constant 0x4B400000 : f32
        %add3A_473 = vector.broadcast %add3A_472 : f32 to vector<16xf32>
        %add3A_474 = arith.addf %mul3A_471, %add3A_473 : vector<16xf32>
        %sub3A_475 = arith.constant 0x4B400000 : f32
        %sub3A_476 = vector.broadcast %sub3A_475 : f32 to vector<16xf32>
        %sub3A_477 = arith.subf %add3A_474, %sub3A_476 : vector<16xf32>
        %convert_element_type3A_478 = arith.fptosi %sub3A_477 : vector<16xf32> to vector<16xi32>
        %max3A_479 = arith.constant 0 : i32
        %max3A_480 = vector.broadcast %max3A_479 : i32 to vector<16xi32>
        %max3A_481 = arith.maxsi %convert_element_type3A_478, %max3A_480 : vector<16xi32>
        %min3A_482 = arith.constant 255 : i32
        %min3A_483 = vector.broadcast %min3A_482 : i32 to vector<16xi32>
        %min3A_484 = arith.minsi %max3A_481, %min3A_483 : vector<16xi32>
        %mul3A_485 = arith.constant 16 : i32
        %mul3A_486 = arith.muli %scan3A_369, %mul3A_485 : i32
        %swap3A_487 = arith.constant 3 : i32
        %swap3A_488 = arith.index_cast %swap3A_487 : i32 to index
        %swap3A_489 = arith.index_cast %mul3A_486 : i32 to index
        %swap3A_490 = tpu.vector_load %arg7[%swap3A_488, %swap3A_489] {strides = array<i32>} : memref<4x1024xi32, #tpu.memory_space<vmem>>, vector<1x16xi32>,
        %swap3A_491 = vector.shape_cast %swap3A_490 : vector<1x16xi32> to vector<16xi32>
        %swap3A_492 = vector.shape_cast %min3A_484 : vector<16xi32> to vector<1x16xi32>
        tpu.vector_store %arg7[%swap3A_488, %swap3A_489], %swap3A_492 {strides = array<i32>} : memref<4x1024xi32, #tpu.memory_space<vmem>>, vector<1x16xi32>,
      }
      %scan3A_14 = arith.constant 64 : i32
      %broadcast_in_dim3A = arith.constant 0 : i32
      %broadcast_in_dim3A_15 = vector.broadcast %broadcast_in_dim3A : i32 to vector<16xi32>
      %scan3A_16 = arith.constant 0 : i32
      %scan3A_17 = arith.constant 64 : i32
      %scan3A_18 = arith.addi %scan3A_16, %scan3A_17 : i32
      %scan3A_19 = arith.constant 1 : i32
      %scan3A_20:16 = scf.for %scan3A_369 = %scan3A_16 to %scan3A_18 step %scan3A_19 iter_args(%scan3A_370 = %broadcast_in_dim3A_15, %scan3A_371 = %broadcast_in_dim3A_15, %scan3A_372 = %broadcast_in_dim3A_15, %scan3A_373 = %broadcast_in_dim3A_15, %scan3A_374 = %broadcast_in_dim3A_15, %scan3A_375 = %broadcast_in_dim3A_15, %scan3A_376 = %broadcast_in_dim3A_15, %scan3A_377 = %broadcast_in_dim3A_15, %scan3A_378 = %broadcast_in_dim3A_15, %scan3A_379 = %broadcast_in_dim3A_15, %scan3A_380 = %broadcast_in_dim3A_15, %scan3A_381 = %broadcast_in_dim3A_15, %scan3A_382 = %broadcast_in_dim3A_15, %scan3A_383 = %broadcast_in_dim3A_15, %scan3A_384 = %broadcast_in_dim3A_15, %scan3A_385 = %broadcast_in_dim3A_15) -> (vector<16xi32>, vector<16xi32>, vector<16xi32>, vector<16xi32>, vector<16xi32>, vector<16xi32>, vector<16xi32>, vector<16xi32>, vector<16xi32>, vector<16xi32>, vector<16xi32>, vector<16xi32>, vector<16xi32>, vector<16xi32>, vector<16xi32>, vector<16xi32>)  : i32 {
        %mul3A_386 = arith.constant 16 : i32
        %mul3A_387 = arith.muli %scan3A_369, %mul3A_386 : i32
        %get3A = arith.constant 0 : i32
        %get3A_388 = arith.index_cast %get3A : i32 to index
        %get3A_389 = arith.index_cast %mul3A_387 : i32 to index
        %get3A_390 = tpu.vector_load %arg7[%get3A_388, %get3A_389] {strides = array<i32>} : memref<4x1024xi32, #tpu.memory_space<vmem>>, vector<1x16xi32>,
        %get3A_391 = vector.shape_cast %get3A_390 : vector<1x16xi32> to vector<16xi32>
        %mul3A_392 = arith.constant 16 : i32
        %mul3A_393 = arith.muli %scan3A_369, %mul3A_392 : i32
        %get3A_394 = arith.constant 1 : i32
        %get3A_395 = arith.index_cast %get3A_394 : i32 to index
        %get3A_396 = arith.index_cast %mul3A_393 : i32 to index
        %get3A_397 = tpu.vector_load %arg7[%get3A_395, %get3A_396] {strides = array<i32>} : memref<4x1024xi32, #tpu.memory_space<vmem>>, vector<1x16xi32>,
        %get3A_398 = vector.shape_cast %get3A_397 : vector<1x16xi32> to vector<16xi32>
        %mul3A_399 = arith.constant 16 : i32
        %mul3A_400 = arith.muli %scan3A_369, %mul3A_399 : i32
        %get3A_401 = arith.constant 2 : i32
        %get3A_402 = arith.index_cast %get3A_401 : i32 to index
        %get3A_403 = arith.index_cast %mul3A_400 : i32 to index
        %get3A_404 = tpu.vector_load %arg7[%get3A_402, %get3A_403] {strides = array<i32>} : memref<4x1024xi32, #tpu.memory_space<vmem>>, vector<1x16xi32>,
        %get3A_405 = vector.shape_cast %get3A_404 : vector<1x16xi32> to vector<16xi32>
        %mul3A_406 = arith.constant 16 : i32
        %mul3A_407 = arith.muli %scan3A_369, %mul3A_406 : i32
        %get3A_408 = arith.constant 3 : i32
        %get3A_409 = arith.index_cast %get3A_408 : i32 to index
        %get3A_410 = arith.index_cast %mul3A_407 : i32 to index
        %get3A_411 = tpu.vector_load %arg7[%get3A_409, %get3A_410] {strides = array<i32>} : memref<4x1024xi32, #tpu.memory_space<vmem>>, vector<1x16xi32>,
        %get3A_412 = vector.shape_cast %get3A_411 : vector<1x16xi32> to vector<16xi32>
        %mul3A_413 = arith.constant 16 : i32
        %mul3A_414 = arith.muli %scan3A_369, %mul3A_413 : i32
        %broadcast_in_dim3A_415 = arith.constant 0 : i32
        %broadcast_in_dim3A_416 = vector.broadcast %broadcast_in_dim3A_415 : i32 to vector<16xi32>
        %add3A_417 = arith.constant 0 : i32
        %add3A_418 = arith.addi %mul3A_414, %add3A_417 : i32
        %get3A_419 = arith.constant 0 : i32
        %get3A_420 = arith.index_cast %add3A_418 : i32 to index
        %get3A_421 = arith.index_cast %get3A_419 : i32 to index
        %get3A_422 = arith.constant 0 : index
        %get3A_423 = tpu.vector_load %arg8[%get3A_420, %get3A_421, %get3A_422] {strides = array<i32>} : memref<1024x1x16xi32, #tpu.memory_space<vmem>>, vector<1x1x16xi32>,
        %get3A_424 = vector.shape_cast %get3A_423 : vector<1x1x16xi32> to vector<16xi32>
        %slice3A = vector.extract_strided_slice %get3A_391 {offsets = [0], sizes = [1], strides = [1]} : vector<16xi32> to vector<1xi32>
        %squeeze3A = vector.extract %slice3A[0] : i32 from vector<1xi32>
        %get3A_425 = arith.constant 0 : i32
        %get3A_426 = arith.index_cast %squeeze3A : i32 to index
        %get3A_427 = arith.index_cast %get3A_425 : i32 to index
        %get3A_428 = arith.constant 0 : index
        %get3A_429 = tpu.vector_load %arg9[%get3A_426, %get3A_427, %get3A_428] {strides = array<i32>} : memref<256x1x16xi32, #tpu.memory_space<vmem>>, vector<1x1x16xi32>,
        %get3A_430 = vector.shape_cast %get3A_429 : vector<1x1x16xi32> to vector<16xi32>
        %xor3A = arith.xori %get3A_424, %get3A_430 : vector<16xi32>
        %add3A_431 = arith.addi %broadcast_in_dim3A_416, %xor3A : vector<16xi32>
        %slice3A_432 = vector.extract_strided_slice %get3A_398 {offsets = [0], sizes = [1], strides = [1]} : vector<16xi32> to vector<1xi32>
        %squeeze3A_433 = vector.extract %slice3A_432[0] : i32 from vector<1xi32>
        %get3A_434 = arith.constant 0 : i32
        %get3A_435 = arith.index_cast %squeeze3A_433 : i32 to index
        %get3A_436 = arith.index_cast %get3A_434 : i32 to index
        %get3A_437 = arith.constant 0 : index
        %get3A_438 = tpu.vector_load %arg9[%get3A_435, %get3A_436, %get3A_437] {strides = array<i32>} : memref<256x1x16xi32, #tpu.memory_space<vmem>>, vector<1x1x16xi32>,
        %get3A_439 = vector.shape_cast %get3A_438 : vector<1x1x16xi32> to vector<16xi32>
        %xor3A_440 = arith.xori %get3A_424, %get3A_439 : vector<16xi32>
        %add3A_441 = arith.addi %broadcast_in_dim3A_416, %xor3A_440 : vector<16xi32>
        %slice3A_442 = vector.extract_strided_slice %get3A_405 {offsets = [0], sizes = [1], strides = [1]} : vector<16xi32> to vector<1xi32>
        %squeeze3A_443 = vector.extract %slice3A_442[0] : i32 from vector<1xi32>
        %get3A_444 = arith.constant 0 : i32
        %get3A_445 = arith.index_cast %squeeze3A_443 : i32 to index
        %get3A_446 = arith.index_cast %get3A_444 : i32 to index
        %get3A_447 = arith.constant 0 : index
        %get3A_448 = tpu.vector_load %arg9[%get3A_445, %get3A_446, %get3A_447] {strides = array<i32>} : memref<256x1x16xi32, #tpu.memory_space<vmem>>, vector<1x1x16xi32>,
        %get3A_449 = vector.shape_cast %get3A_448 : vector<1x1x16xi32> to vector<16xi32>
        %xor3A_450 = arith.xori %get3A_424, %get3A_449 : vector<16xi32>
        %add3A_451 = arith.addi %broadcast_in_dim3A_416, %xor3A_450 : vector<16xi32>
        %slice3A_452 = vector.extract_strided_slice %get3A_412 {offsets = [0], sizes = [1], strides = [1]} : vector<16xi32> to vector<1xi32>
        %squeeze3A_453 = vector.extract %slice3A_452[0] : i32 from vector<1xi32>
        %get3A_454 = arith.constant 0 : i32
        %get3A_455 = arith.index_cast %squeeze3A_453 : i32 to index
        %get3A_456 = arith.index_cast %get3A_454 : i32 to index
        %get3A_457 = arith.constant 0 : index
        %get3A_458 = tpu.vector_load %arg9[%get3A_455, %get3A_456, %get3A_457] {strides = array<i32>} : memref<256x1x16xi32, #tpu.memory_space<vmem>>, vector<1x1x16xi32>,
        %get3A_459 = vector.shape_cast %get3A_458 : vector<1x1x16xi32> to vector<16xi32>
        %xor3A_460 = arith.xori %get3A_424, %get3A_459 : vector<16xi32>
        %add3A_461 = arith.addi %broadcast_in_dim3A_416, %xor3A_460 : vector<16xi32>
        %add3A_462 = arith.constant 1 : i32
        %add3A_463 = arith.addi %mul3A_414, %add3A_462 : i32
        %get3A_464 = arith.constant 0 : i32
        %get3A_465 = arith.index_cast %add3A_463 : i32 to index
        %get3A_466 = arith.index_cast %get3A_464 : i32 to index
        %get3A_467 = arith.constant 0 : index
        %get3A_468 = tpu.vector_load %arg8[%get3A_465, %get3A_466, %get3A_467] {strides = array<i32>} : memref<1024x1x16xi32, #tpu.memory_space<vmem>>, vector<1x1x16xi32>,
        %get3A_469 = vector.shape_cast %get3A_468 : vector<1x1x16xi32> to vector<16xi32>
        %slice3A_470 = vector.extract_strided_slice %get3A_391 {offsets = [1], sizes = [1], strides = [1]} : vector<16xi32> to vector<1xi32>
        %squeeze3A_471 = vector.extract %slice3A_470[0] : i32 from vector<1xi32>
        %get3A_472 = arith.constant 0 : i32
        %get3A_473 = arith.index_cast %squeeze3A_471 : i32 to index
        %get3A_474 = arith.index_cast %get3A_472 : i32 to index
        %get3A_475 = arith.constant 0 : index
        %get3A_476 = tpu.vector_load %arg9[%get3A_473, %get3A_474, %get3A_475] {strides = array<i32>} : memref<256x1x16xi32, #tpu.memory_space<vmem>>, vector<1x1x16xi32>,
        %get3A_477 = vector.shape_cast %get3A_476 : vector<1x1x16xi32> to vector<16xi32>
        %xor3A_478 = arith.xori %get3A_469, %get3A_477 : vector<16xi32>
        %add3A_479 = arith.addi %add3A_431, %xor3A_478 : vector<16xi32>
        %slice3A_480 = vector.extract_strided_slice %get3A_398 {offsets = [1], sizes = [1], strides = [1]} : vector<16xi32> to vector<1xi32>
        %squeeze3A_481 = vector.extract %slice3A_480[0] : i32 from vector<1xi32>
        %get3A_482 = arith.constant 0 : i32
        %get3A_483 = arith.index_cast %squeeze3A_481 : i32 to index
        %get3A_484 = arith.index_cast %get3A_482 : i32 to index
        %get3A_485 = arith.constant 0 : index
        %get3A_486 = tpu.vector_load %arg9[%get3A_483, %get3A_484, %get3A_485] {strides = array<i32>} : memref<256x1x16xi32, #tpu.memory_space<vmem>>, vector<1x1x16xi32>,
        %get3A_487 = vector.shape_cast %get3A_486 : vector<1x1x16xi32> to vector<16xi32>
        %xor3A_488 = arith.xori %get3A_469, %get3A_487 : vector<16xi32>
        %add3A_489 = arith.addi %add3A_441, %xor3A_488 : vector<16xi32>
        %slice3A_490 = vector.extract_strided_slice %get3A_405 {offsets = [1], sizes = [1], strides = [1]} : vector<16xi32> to vector<1xi32>
        %squeeze3A_491 = vector.extract %slice3A_490[0] : i32 from vector<1xi32>
        %get3A_492 = arith.constant 0 : i32
        %get3A_493 = arith.index_cast %squeeze3A_491 : i32 to index
        %get3A_494 = arith.index_cast %get3A_492 : i32 to index
        %get3A_495 = arith.constant 0 : index
        %get3A_496 = tpu.vector_load %arg9[%get3A_493, %get3A_494, %get3A_495] {strides = array<i32>} : memref<256x1x16xi32, #tpu.memory_space<vmem>>, vector<1x1x16xi32>,
        %get3A_497 = vector.shape_cast %get3A_496 : vector<1x1x16xi32> to vector<16xi32>
        %xor3A_498 = arith.xori %get3A_469, %get3A_497 : vector<16xi32>
        %add3A_499 = arith.addi %add3A_451, %xor3A_498 : vector<16xi32>
        %slice3A_500 = vector.extract_strided_slice %get3A_412 {offsets = [1], sizes = [1], strides = [1]} : vector<16xi32> to vector<1xi32>
        %squeeze3A_501 = vector.extract %slice3A_500[0] : i32 from vector<1xi32>
        %get3A_502 = arith.constant 0 : i32
        %get3A_503 = arith.index_cast %squeeze3A_501 : i32 to index
        %get3A_504 = arith.index_cast %get3A_502 : i32 to index
        %get3A_505 = arith.constant 0 : index
        %get3A_506 = tpu.vector_load %arg9[%get3A_503, %get3A_504, %get3A_505] {strides = array<i32>} : memref<256x1x16xi32, #tpu.memory_space<vmem>>, vector<1x1x16xi32>,
        %get3A_507 = vector.shape_cast %get3A_506 : vector<1x1x16xi32> to vector<16xi32>
        %xor3A_508 = arith.xori %get3A_469, %get3A_507 : vector<16xi32>
        %add3A_509 = arith.addi %add3A_461, %xor3A_508 : vector<16xi32>
        %add3A_510 = arith.constant 2 : i32
        %add3A_511 = arith.addi %mul3A_414, %add3A_510 : i32
        %get3A_512 = arith.constant 0 : i32
        %get3A_513 = arith.index_cast %add3A_511 : i32 to index
        %get3A_514 = arith.index_cast %get3A_512 : i32 to index
        %get3A_515 = arith.constant 0 : index
        %get3A_516 = tpu.vector_load %arg8[%get3A_513, %get3A_514, %get3A_515] {strides = array<i32>} : memref<1024x1x16xi32, #tpu.memory_space<vmem>>, vector<1x1x16xi32>,
        %get3A_517 = vector.shape_cast %get3A_516 : vector<1x1x16xi32> to vector<16xi32>
        %slice3A_518 = vector.extract_strided_slice %get3A_391 {offsets = [2], sizes = [1], strides = [1]} : vector<16xi32> to vector<1xi32>
        %squeeze3A_519 = vector.extract %slice3A_518[0] : i32 from vector<1xi32>
        %get3A_520 = arith.constant 0 : i32
        %get3A_521 = arith.index_cast %squeeze3A_519 : i32 to index
        %get3A_522 = arith.index_cast %get3A_520 : i32 to index
        %get3A_523 = arith.constant 0 : index
        %get3A_524 = tpu.vector_load %arg9[%get3A_521, %get3A_522, %get3A_523] {strides = array<i32>} : memref<256x1x16xi32, #tpu.memory_space<vmem>>, vector<1x1x16xi32>,
        %get3A_525 = vector.shape_cast %get3A_524 : vector<1x1x16xi32> to vector<16xi32>
        %xor3A_526 = arith.xori %get3A_517, %get3A_525 : vector<16xi32>
        %add3A_527 = arith.addi %add3A_479, %xor3A_526 : vector<16xi32>
        %slice3A_528 = vector.extract_strided_slice %get3A_398 {offsets = [2], sizes = [1], strides = [1]} : vector<16xi32> to vector<1xi32>
        %squeeze3A_529 = vector.extract %slice3A_528[0] : i32 from vector<1xi32>
        %get3A_530 = arith.constant 0 : i32
        %get3A_531 = arith.index_cast %squeeze3A_529 : i32 to index
        %get3A_532 = arith.index_cast %get3A_530 : i32 to index
        %get3A_533 = arith.constant 0 : index
        %get3A_534 = tpu.vector_load %arg9[%get3A_531, %get3A_532, %get3A_533] {strides = array<i32>} : memref<256x1x16xi32, #tpu.memory_space<vmem>>, vector<1x1x16xi32>,
        %get3A_535 = vector.shape_cast %get3A_534 : vector<1x1x16xi32> to vector<16xi32>
        %xor3A_536 = arith.xori %get3A_517, %get3A_535 : vector<16xi32>
        %add3A_537 = arith.addi %add3A_489, %xor3A_536 : vector<16xi32>
        %slice3A_538 = vector.extract_strided_slice %get3A_405 {offsets = [2], sizes = [1], strides = [1]} : vector<16xi32> to vector<1xi32>
        %squeeze3A_539 = vector.extract %slice3A_538[0] : i32 from vector<1xi32>
        %get3A_540 = arith.constant 0 : i32
        %get3A_541 = arith.index_cast %squeeze3A_539 : i32 to index
        %get3A_542 = arith.index_cast %get3A_540 : i32 to index
        %get3A_543 = arith.constant 0 : index
        %get3A_544 = tpu.vector_load %arg9[%get3A_541, %get3A_542, %get3A_543] {strides = array<i32>} : memref<256x1x16xi32, #tpu.memory_space<vmem>>, vector<1x1x16xi32>,
        %get3A_545 = vector.shape_cast %get3A_544 : vector<1x1x16xi32> to vector<16xi32>
        %xor3A_546 = arith.xori %get3A_517, %get3A_545 : vector<16xi32>
        %add3A_547 = arith.addi %add3A_499, %xor3A_546 : vector<16xi32>
        %slice3A_548 = vector.extract_strided_slice %get3A_412 {offsets = [2], sizes = [1], strides = [1]} : vector<16xi32> to vector<1xi32>
        %squeeze3A_549 = vector.extract %slice3A_548[0] : i32 from vector<1xi32>
        %get3A_550 = arith.constant 0 : i32
        %get3A_551 = arith.index_cast %squeeze3A_549 : i32 to index
        %get3A_552 = arith.index_cast %get3A_550 : i32 to index
        %get3A_553 = arith.constant 0 : index
        %get3A_554 = tpu.vector_load %arg9[%get3A_551, %get3A_552, %get3A_553] {strides = array<i32>} : memref<256x1x16xi32, #tpu.memory_space<vmem>>, vector<1x1x16xi32>,
        %get3A_555 = vector.shape_cast %get3A_554 : vector<1x1x16xi32> to vector<16xi32>
        %xor3A_556 = arith.xori %get3A_517, %get3A_555 : vector<16xi32>
        %add3A_557 = arith.addi %add3A_509, %xor3A_556 : vector<16xi32>
        %add3A_558 = arith.constant 3 : i32
        %add3A_559 = arith.addi %mul3A_414, %add3A_558 : i32
        %get3A_560 = arith.constant 0 : i32
        %get3A_561 = arith.index_cast %add3A_559 : i32 to index
        %get3A_562 = arith.index_cast %get3A_560 : i32 to index
        %get3A_563 = arith.constant 0 : index
        %get3A_564 = tpu.vector_load %arg8[%get3A_561, %get3A_562, %get3A_563] {strides = array<i32>} : memref<1024x1x16xi32, #tpu.memory_space<vmem>>, vector<1x1x16xi32>,
        %get3A_565 = vector.shape_cast %get3A_564 : vector<1x1x16xi32> to vector<16xi32>
        %slice3A_566 = vector.extract_strided_slice %get3A_391 {offsets = [3], sizes = [1], strides = [1]} : vector<16xi32> to vector<1xi32>
        %squeeze3A_567 = vector.extract %slice3A_566[0] : i32 from vector<1xi32>
        %get3A_568 = arith.constant 0 : i32
        %get3A_569 = arith.index_cast %squeeze3A_567 : i32 to index
        %get3A_570 = arith.index_cast %get3A_568 : i32 to index
        %get3A_571 = arith.constant 0 : index
        %get3A_572 = tpu.vector_load %arg9[%get3A_569, %get3A_570, %get3A_571] {strides = array<i32>} : memref<256x1x16xi32, #tpu.memory_space<vmem>>, vector<1x1x16xi32>,
        %get3A_573 = vector.shape_cast %get3A_572 : vector<1x1x16xi32> to vector<16xi32>
        %xor3A_574 = arith.xori %get3A_565, %get3A_573 : vector<16xi32>
        %add3A_575 = arith.addi %add3A_527, %xor3A_574 : vector<16xi32>
        %slice3A_576 = vector.extract_strided_slice %get3A_398 {offsets = [3], sizes = [1], strides = [1]} : vector<16xi32> to vector<1xi32>
        %squeeze3A_577 = vector.extract %slice3A_576[0] : i32 from vector<1xi32>
        %get3A_578 = arith.constant 0 : i32
        %get3A_579 = arith.index_cast %squeeze3A_577 : i32 to index
        %get3A_580 = arith.index_cast %get3A_578 : i32 to index
        %get3A_581 = arith.constant 0 : index
        %get3A_582 = tpu.vector_load %arg9[%get3A_579, %get3A_580, %get3A_581] {strides = array<i32>} : memref<256x1x16xi32, #tpu.memory_space<vmem>>, vector<1x1x16xi32>,
        %get3A_583 = vector.shape_cast %get3A_582 : vector<1x1x16xi32> to vector<16xi32>
        %xor3A_584 = arith.xori %get3A_565, %get3A_583 : vector<16xi32>
        %add3A_585 = arith.addi %add3A_537, %xor3A_584 : vector<16xi32>
        %slice3A_586 = vector.extract_strided_slice %get3A_405 {offsets = [3], sizes = [1], strides = [1]} : vector<16xi32> to vector<1xi32>
        %squeeze3A_587 = vector.extract %slice3A_586[0] : i32 from vector<1xi32>
        %get3A_588 = arith.constant 0 : i32
        %get3A_589 = arith.index_cast %squeeze3A_587 : i32 to index
        %get3A_590 = arith.index_cast %get3A_588 : i32 to index
        %get3A_591 = arith.constant 0 : index
        %get3A_592 = tpu.vector_load %arg9[%get3A_589, %get3A_590, %get3A_591] {strides = array<i32>} : memref<256x1x16xi32, #tpu.memory_space<vmem>>, vector<1x1x16xi32>,
        %get3A_593 = vector.shape_cast %get3A_592 : vector<1x1x16xi32> to vector<16xi32>
        %xor3A_594 = arith.xori %get3A_565, %get3A_593 : vector<16xi32>
        %add3A_595 = arith.addi %add3A_547, %xor3A_594 : vector<16xi32>
        %slice3A_596 = vector.extract_strided_slice %get3A_412 {offsets = [3], sizes = [1], strides = [1]} : vector<16xi32> to vector<1xi32>
        %squeeze3A_597 = vector.extract %slice3A_596[0] : i32 from vector<1xi32>
        %get3A_598 = arith.constant 0 : i32
        %get3A_599 = arith.index_cast %squeeze3A_597 : i32 to index
        %get3A_600 = arith.index_cast %get3A_598 : i32 to index
        %get3A_601 = arith.constant 0 : index
        %get3A_602 = tpu.vector_load %arg9[%get3A_599, %get3A_600, %get3A_601] {strides = array<i32>} : memref<256x1x16xi32, #tpu.memory_space<vmem>>, vector<1x1x16xi32>,
        %get3A_603 = vector.shape_cast %get3A_602 : vector<1x1x16xi32> to vector<16xi32>
        %xor3A_604 = arith.xori %get3A_565, %get3A_603 : vector<16xi32>
        %add3A_605 = arith.addi %add3A_557, %xor3A_604 : vector<16xi32>
        %add3A_606 = arith.constant 4 : i32
        %add3A_607 = arith.addi %mul3A_414, %add3A_606 : i32
        %get3A_608 = arith.constant 0 : i32
        %get3A_609 = arith.index_cast %add3A_607 : i32 to index
        %get3A_610 = arith.index_cast %get3A_608 : i32 to index
        %get3A_611 = arith.constant 0 : index
        %get3A_612 = tpu.vector_load %arg8[%get3A_609, %get3A_610, %get3A_611] {strides = array<i32>} : memref<1024x1x16xi32, #tpu.memory_space<vmem>>, vector<1x1x16xi32>,
        %get3A_613 = vector.shape_cast %get3A_612 : vector<1x1x16xi32> to vector<16xi32>
        %slice3A_614 = vector.extract_strided_slice %get3A_391 {offsets = [4], sizes = [1], strides = [1]} : vector<16xi32> to vector<1xi32>
        %squeeze3A_615 = vector.extract %slice3A_614[0] : i32 from vector<1xi32>
        %get3A_616 = arith.constant 0 : i32
        %get3A_617 = arith.index_cast %squeeze3A_615 : i32 to index
        %get3A_618 = arith.index_cast %get3A_616 : i32 to index
        %get3A_619 = arith.constant 0 : index
        %get3A_620 = tpu.vector_load %arg9[%get3A_617, %get3A_618, %get3A_619] {strides = array<i32>} : memref<256x1x16xi32, #tpu.memory_space<vmem>>, vector<1x1x16xi32>,
        %get3A_621 = vector.shape_cast %get3A_620 : vector<1x1x16xi32> to vector<16xi32>
        %xor3A_622 = arith.xori %get3A_613, %get3A_621 : vector<16xi32>
        %add3A_623 = arith.addi %add3A_575, %xor3A_622 : vector<16xi32>
        %slice3A_624 = vector.extract_strided_slice %get3A_398 {offsets = [4], sizes = [1], strides = [1]} : vector<16xi32> to vector<1xi32>
        %squeeze3A_625 = vector.extract %slice3A_624[0] : i32 from vector<1xi32>
        %get3A_626 = arith.constant 0 : i32
        %get3A_627 = arith.index_cast %squeeze3A_625 : i32 to index
        %get3A_628 = arith.index_cast %get3A_626 : i32 to index
        %get3A_629 = arith.constant 0 : index
        %get3A_630 = tpu.vector_load %arg9[%get3A_627, %get3A_628, %get3A_629] {strides = array<i32>} : memref<256x1x16xi32, #tpu.memory_space<vmem>>, vector<1x1x16xi32>,
        %get3A_631 = vector.shape_cast %get3A_630 : vector<1x1x16xi32> to vector<16xi32>
        %xor3A_632 = arith.xori %get3A_613, %get3A_631 : vector<16xi32>
        %add3A_633 = arith.addi %add3A_585, %xor3A_632 : vector<16xi32>
        %slice3A_634 = vector.extract_strided_slice %get3A_405 {offsets = [4], sizes = [1], strides = [1]} : vector<16xi32> to vector<1xi32>
        %squeeze3A_635 = vector.extract %slice3A_634[0] : i32 from vector<1xi32>
        %get3A_636 = arith.constant 0 : i32
        %get3A_637 = arith.index_cast %squeeze3A_635 : i32 to index
        %get3A_638 = arith.index_cast %get3A_636 : i32 to index
        %get3A_639 = arith.constant 0 : index
        %get3A_640 = tpu.vector_load %arg9[%get3A_637, %get3A_638, %get3A_639] {strides = array<i32>} : memref<256x1x16xi32, #tpu.memory_space<vmem>>, vector<1x1x16xi32>,
        %get3A_641 = vector.shape_cast %get3A_640 : vector<1x1x16xi32> to vector<16xi32>
        %xor3A_642 = arith.xori %get3A_613, %get3A_641 : vector<16xi32>
        %add3A_643 = arith.addi %add3A_595, %xor3A_642 : vector<16xi32>
        %slice3A_644 = vector.extract_strided_slice %get3A_412 {offsets = [4], sizes = [1], strides = [1]} : vector<16xi32> to vector<1xi32>
        %squeeze3A_645 = vector.extract %slice3A_644[0] : i32 from vector<1xi32>
        %get3A_646 = arith.constant 0 : i32
        %get3A_647 = arith.index_cast %squeeze3A_645 : i32 to index
        %get3A_648 = arith.index_cast %get3A_646 : i32 to index
        %get3A_649 = arith.constant 0 : index
        %get3A_650 = tpu.vector_load %arg9[%get3A_647, %get3A_648, %get3A_649] {strides = array<i32>} : memref<256x1x16xi32, #tpu.memory_space<vmem>>, vector<1x1x16xi32>,
        %get3A_651 = vector.shape_cast %get3A_650 : vector<1x1x16xi32> to vector<16xi32>
        %xor3A_652 = arith.xori %get3A_613, %get3A_651 : vector<16xi32>
        %add3A_653 = arith.addi %add3A_605, %xor3A_652 : vector<16xi32>
        %add3A_654 = arith.constant 5 : i32
        %add3A_655 = arith.addi %mul3A_414, %add3A_654 : i32
        %get3A_656 = arith.constant 0 : i32
        %get3A_657 = arith.index_cast %add3A_655 : i32 to index
        %get3A_658 = arith.index_cast %get3A_656 : i32 to index
        %get3A_659 = arith.constant 0 : index
        %get3A_660 = tpu.vector_load %arg8[%get3A_657, %get3A_658, %get3A_659] {strides = array<i32>} : memref<1024x1x16xi32, #tpu.memory_space<vmem>>, vector<1x1x16xi32>,
        %get3A_661 = vector.shape_cast %get3A_660 : vector<1x1x16xi32> to vector<16xi32>
        %slice3A_662 = vector.extract_strided_slice %get3A_391 {offsets = [5], sizes = [1], strides = [1]} : vector<16xi32> to vector<1xi32>
        %squeeze3A_663 = vector.extract %slice3A_662[0] : i32 from vector<1xi32>
        %get3A_664 = arith.constant 0 : i32
        %get3A_665 = arith.index_cast %squeeze3A_663 : i32 to index
        %get3A_666 = arith.index_cast %get3A_664 : i32 to index
        %get3A_667 = arith.constant 0 : index
        %get3A_668 = tpu.vector_load %arg9[%get3A_665, %get3A_666, %get3A_667] {strides = array<i32>} : memref<256x1x16xi32, #tpu.memory_space<vmem>>, vector<1x1x16xi32>,
        %get3A_669 = vector.shape_cast %get3A_668 : vector<1x1x16xi32> to vector<16xi32>
        %xor3A_670 = arith.xori %get3A_661, %get3A_669 : vector<16xi32>
        %add3A_671 = arith.addi %add3A_623, %xor3A_670 : vector<16xi32>
        %slice3A_672 = vector.extract_strided_slice %get3A_398 {offsets = [5], sizes = [1], strides = [1]} : vector<16xi32> to vector<1xi32>
        %squeeze3A_673 = vector.extract %slice3A_672[0] : i32 from vector<1xi32>
        %get3A_674 = arith.constant 0 : i32
        %get3A_675 = arith.index_cast %squeeze3A_673 : i32 to index
        %get3A_676 = arith.index_cast %get3A_674 : i32 to index
        %get3A_677 = arith.constant 0 : index
        %get3A_678 = tpu.vector_load %arg9[%get3A_675, %get3A_676, %get3A_677] {strides = array<i32>} : memref<256x1x16xi32, #tpu.memory_space<vmem>>, vector<1x1x16xi32>,
        %get3A_679 = vector.shape_cast %get3A_678 : vector<1x1x16xi32> to vector<16xi32>
        %xor3A_680 = arith.xori %get3A_661, %get3A_679 : vector<16xi32>
        %add3A_681 = arith.addi %add3A_633, %xor3A_680 : vector<16xi32>
        %slice3A_682 = vector.extract_strided_slice %get3A_405 {offsets = [5], sizes = [1], strides = [1]} : vector<16xi32> to vector<1xi32>
        %squeeze3A_683 = vector.extract %slice3A_682[0] : i32 from vector<1xi32>
        %get3A_684 = arith.constant 0 : i32
        %get3A_685 = arith.index_cast %squeeze3A_683 : i32 to index
        %get3A_686 = arith.index_cast %get3A_684 : i32 to index
        %get3A_687 = arith.constant 0 : index
        %get3A_688 = tpu.vector_load %arg9[%get3A_685, %get3A_686, %get3A_687] {strides = array<i32>} : memref<256x1x16xi32, #tpu.memory_space<vmem>>, vector<1x1x16xi32>,
        %get3A_689 = vector.shape_cast %get3A_688 : vector<1x1x16xi32> to vector<16xi32>
        %xor3A_690 = arith.xori %get3A_661, %get3A_689 : vector<16xi32>
        %add3A_691 = arith.addi %add3A_643, %xor3A_690 : vector<16xi32>
        %slice3A_692 = vector.extract_strided_slice %get3A_412 {offsets = [5], sizes = [1], strides = [1]} : vector<16xi32> to vector<1xi32>
        %squeeze3A_693 = vector.extract %slice3A_692[0] : i32 from vector<1xi32>
        %get3A_694 = arith.constant 0 : i32
        %get3A_695 = arith.index_cast %squeeze3A_693 : i32 to index
        %get3A_696 = arith.index_cast %get3A_694 : i32 to index
        %get3A_697 = arith.constant 0 : index
        %get3A_698 = tpu.vector_load %arg9[%get3A_695, %get3A_696, %get3A_697] {strides = array<i32>} : memref<256x1x16xi32, #tpu.memory_space<vmem>>, vector<1x1x16xi32>,
        %get3A_699 = vector.shape_cast %get3A_698 : vector<1x1x16xi32> to vector<16xi32>
        %xor3A_700 = arith.xori %get3A_661, %get3A_699 : vector<16xi32>
        %add3A_701 = arith.addi %add3A_653, %xor3A_700 : vector<16xi32>
        %add3A_702 = arith.constant 6 : i32
        %add3A_703 = arith.addi %mul3A_414, %add3A_702 : i32
        %get3A_704 = arith.constant 0 : i32
        %get3A_705 = arith.index_cast %add3A_703 : i32 to index
        %get3A_706 = arith.index_cast %get3A_704 : i32 to index
        %get3A_707 = arith.constant 0 : index
        %get3A_708 = tpu.vector_load %arg8[%get3A_705, %get3A_706, %get3A_707] {strides = array<i32>} : memref<1024x1x16xi32, #tpu.memory_space<vmem>>, vector<1x1x16xi32>,
        %get3A_709 = vector.shape_cast %get3A_708 : vector<1x1x16xi32> to vector<16xi32>
        %slice3A_710 = vector.extract_strided_slice %get3A_391 {offsets = [6], sizes = [1], strides = [1]} : vector<16xi32> to vector<1xi32>
        %squeeze3A_711 = vector.extract %slice3A_710[0] : i32 from vector<1xi32>
        %get3A_712 = arith.constant 0 : i32
        %get3A_713 = arith.index_cast %squeeze3A_711 : i32 to index
        %get3A_714 = arith.index_cast %get3A_712 : i32 to index
        %get3A_715 = arith.constant 0 : index
        %get3A_716 = tpu.vector_load %arg9[%get3A_713, %get3A_714, %get3A_715] {strides = array<i32>} : memref<256x1x16xi32, #tpu.memory_space<vmem>>, vector<1x1x16xi32>,
        %get3A_717 = vector.shape_cast %get3A_716 : vector<1x1x16xi32> to vector<16xi32>
        %xor3A_718 = arith.xori %get3A_709, %get3A_717 : vector<16xi32>
        %add3A_719 = arith.addi %add3A_671, %xor3A_718 : vector<16xi32>
        %slice3A_720 = vector.extract_strided_slice %get3A_398 {offsets = [6], sizes = [1], strides = [1]} : vector<16xi32> to vector<1xi32>
        %squeeze3A_721 = vector.extract %slice3A_720[0] : i32 from vector<1xi32>
        %get3A_722 = arith.constant 0 : i32
        %get3A_723 = arith.index_cast %squeeze3A_721 : i32 to index
        %get3A_724 = arith.index_cast %get3A_722 : i32 to index
        %get3A_725 = arith.constant 0 : index
        %get3A_726 = tpu.vector_load %arg9[%get3A_723, %get3A_724, %get3A_725] {strides = array<i32>} : memref<256x1x16xi32, #tpu.memory_space<vmem>>, vector<1x1x16xi32>,
        %get3A_727 = vector.shape_cast %get3A_726 : vector<1x1x16xi32> to vector<16xi32>
        %xor3A_728 = arith.xori %get3A_709, %get3A_727 : vector<16xi32>
        %add3A_729 = arith.addi %add3A_681, %xor3A_728 : vector<16xi32>
        %slice3A_730 = vector.extract_strided_slice %get3A_405 {offsets = [6], sizes = [1], strides = [1]} : vector<16xi32> to vector<1xi32>
        %squeeze3A_731 = vector.extract %slice3A_730[0] : i32 from vector<1xi32>
        %get3A_732 = arith.constant 0 : i32
        %get3A_733 = arith.index_cast %squeeze3A_731 : i32 to index
        %get3A_734 = arith.index_cast %get3A_732 : i32 to index
        %get3A_735 = arith.constant 0 : index
        %get3A_736 = tpu.vector_load %arg9[%get3A_733, %get3A_734, %get3A_735] {strides = array<i32>} : memref<256x1x16xi32, #tpu.memory_space<vmem>>, vector<1x1x16xi32>,
        %get3A_737 = vector.shape_cast %get3A_736 : vector<1x1x16xi32> to vector<16xi32>
        %xor3A_738 = arith.xori %get3A_709, %get3A_737 : vector<16xi32>
        %add3A_739 = arith.addi %add3A_691, %xor3A_738 : vector<16xi32>
        %slice3A_740 = vector.extract_strided_slice %get3A_412 {offsets = [6], sizes = [1], strides = [1]} : vector<16xi32> to vector<1xi32>
        %squeeze3A_741 = vector.extract %slice3A_740[0] : i32 from vector<1xi32>
        %get3A_742 = arith.constant 0 : i32
        %get3A_743 = arith.index_cast %squeeze3A_741 : i32 to index
        %get3A_744 = arith.index_cast %get3A_742 : i32 to index
        %get3A_745 = arith.constant 0 : index
        %get3A_746 = tpu.vector_load %arg9[%get3A_743, %get3A_744, %get3A_745] {strides = array<i32>} : memref<256x1x16xi32, #tpu.memory_space<vmem>>, vector<1x1x16xi32>,
        %get3A_747 = vector.shape_cast %get3A_746 : vector<1x1x16xi32> to vector<16xi32>
        %xor3A_748 = arith.xori %get3A_709, %get3A_747 : vector<16xi32>
        %add3A_749 = arith.addi %add3A_701, %xor3A_748 : vector<16xi32>
        %add3A_750 = arith.constant 7 : i32
        %add3A_751 = arith.addi %mul3A_414, %add3A_750 : i32
        %get3A_752 = arith.constant 0 : i32
        %get3A_753 = arith.index_cast %add3A_751 : i32 to index
        %get3A_754 = arith.index_cast %get3A_752 : i32 to index
        %get3A_755 = arith.constant 0 : index
        %get3A_756 = tpu.vector_load %arg8[%get3A_753, %get3A_754, %get3A_755] {strides = array<i32>} : memref<1024x1x16xi32, #tpu.memory_space<vmem>>, vector<1x1x16xi32>,
        %get3A_757 = vector.shape_cast %get3A_756 : vector<1x1x16xi32> to vector<16xi32>
        %slice3A_758 = vector.extract_strided_slice %get3A_391 {offsets = [7], sizes = [1], strides = [1]} : vector<16xi32> to vector<1xi32>
        %squeeze3A_759 = vector.extract %slice3A_758[0] : i32 from vector<1xi32>
        %get3A_760 = arith.constant 0 : i32
        %get3A_761 = arith.index_cast %squeeze3A_759 : i32 to index
        %get3A_762 = arith.index_cast %get3A_760 : i32 to index
        %get3A_763 = arith.constant 0 : index
        %get3A_764 = tpu.vector_load %arg9[%get3A_761, %get3A_762, %get3A_763] {strides = array<i32>} : memref<256x1x16xi32, #tpu.memory_space<vmem>>, vector<1x1x16xi32>,
        %get3A_765 = vector.shape_cast %get3A_764 : vector<1x1x16xi32> to vector<16xi32>
        %xor3A_766 = arith.xori %get3A_757, %get3A_765 : vector<16xi32>
        %add3A_767 = arith.addi %add3A_719, %xor3A_766 : vector<16xi32>
        %slice3A_768 = vector.extract_strided_slice %get3A_398 {offsets = [7], sizes = [1], strides = [1]} : vector<16xi32> to vector<1xi32>
        %squeeze3A_769 = vector.extract %slice3A_768[0] : i32 from vector<1xi32>
        %get3A_770 = arith.constant 0 : i32
        %get3A_771 = arith.index_cast %squeeze3A_769 : i32 to index
        %get3A_772 = arith.index_cast %get3A_770 : i32 to index
        %get3A_773 = arith.constant 0 : index
        %get3A_774 = tpu.vector_load %arg9[%get3A_771, %get3A_772, %get3A_773] {strides = array<i32>} : memref<256x1x16xi32, #tpu.memory_space<vmem>>, vector<1x1x16xi32>,
        %get3A_775 = vector.shape_cast %get3A_774 : vector<1x1x16xi32> to vector<16xi32>
        %xor3A_776 = arith.xori %get3A_757, %get3A_775 : vector<16xi32>
        %add3A_777 = arith.addi %add3A_729, %xor3A_776 : vector<16xi32>
        %slice3A_778 = vector.extract_strided_slice %get3A_405 {offsets = [7], sizes = [1], strides = [1]} : vector<16xi32> to vector<1xi32>
        %squeeze3A_779 = vector.extract %slice3A_778[0] : i32 from vector<1xi32>
        %get3A_780 = arith.constant 0 : i32
        %get3A_781 = arith.index_cast %squeeze3A_779 : i32 to index
        %get3A_782 = arith.index_cast %get3A_780 : i32 to index
        %get3A_783 = arith.constant 0 : index
        %get3A_784 = tpu.vector_load %arg9[%get3A_781, %get3A_782, %get3A_783] {strides = array<i32>} : memref<256x1x16xi32, #tpu.memory_space<vmem>>, vector<1x1x16xi32>,
        %get3A_785 = vector.shape_cast %get3A_784 : vector<1x1x16xi32> to vector<16xi32>
        %xor3A_786 = arith.xori %get3A_757, %get3A_785 : vector<16xi32>
        %add3A_787 = arith.addi %add3A_739, %xor3A_786 : vector<16xi32>
        %slice3A_788 = vector.extract_strided_slice %get3A_412 {offsets = [7], sizes = [1], strides = [1]} : vector<16xi32> to vector<1xi32>
        %squeeze3A_789 = vector.extract %slice3A_788[0] : i32 from vector<1xi32>
        %get3A_790 = arith.constant 0 : i32
        %get3A_791 = arith.index_cast %squeeze3A_789 : i32 to index
        %get3A_792 = arith.index_cast %get3A_790 : i32 to index
        %get3A_793 = arith.constant 0 : index
        %get3A_794 = tpu.vector_load %arg9[%get3A_791, %get3A_792, %get3A_793] {strides = array<i32>} : memref<256x1x16xi32, #tpu.memory_space<vmem>>, vector<1x1x16xi32>,
        %get3A_795 = vector.shape_cast %get3A_794 : vector<1x1x16xi32> to vector<16xi32>
        %xor3A_796 = arith.xori %get3A_757, %get3A_795 : vector<16xi32>
        %add3A_797 = arith.addi %add3A_749, %xor3A_796 : vector<16xi32>
        %add3A_798 = arith.constant 8 : i32
        %add3A_799 = arith.addi %mul3A_414, %add3A_798 : i32
        %get3A_800 = arith.constant 0 : i32
        %get3A_801 = arith.index_cast %add3A_799 : i32 to index
        %get3A_802 = arith.index_cast %get3A_800 : i32 to index
        %get3A_803 = arith.constant 0 : index
        %get3A_804 = tpu.vector_load %arg8[%get3A_801, %get3A_802, %get3A_803] {strides = array<i32>} : memref<1024x1x16xi32, #tpu.memory_space<vmem>>, vector<1x1x16xi32>,
        %get3A_805 = vector.shape_cast %get3A_804 : vector<1x1x16xi32> to vector<16xi32>
        %slice3A_806 = vector.extract_strided_slice %get3A_391 {offsets = [8], sizes = [1], strides = [1]} : vector<16xi32> to vector<1xi32>
        %squeeze3A_807 = vector.extract %slice3A_806[0] : i32 from vector<1xi32>
        %get3A_808 = arith.constant 0 : i32
        %get3A_809 = arith.index_cast %squeeze3A_807 : i32 to index
        %get3A_810 = arith.index_cast %get3A_808 : i32 to index
        %get3A_811 = arith.constant 0 : index
        %get3A_812 = tpu.vector_load %arg9[%get3A_809, %get3A_810, %get3A_811] {strides = array<i32>} : memref<256x1x16xi32, #tpu.memory_space<vmem>>, vector<1x1x16xi32>,
        %get3A_813 = vector.shape_cast %get3A_812 : vector<1x1x16xi32> to vector<16xi32>
        %xor3A_814 = arith.xori %get3A_805, %get3A_813 : vector<16xi32>
        %add3A_815 = arith.addi %add3A_767, %xor3A_814 : vector<16xi32>
        %slice3A_816 = vector.extract_strided_slice %get3A_398 {offsets = [8], sizes = [1], strides = [1]} : vector<16xi32> to vector<1xi32>
        %squeeze3A_817 = vector.extract %slice3A_816[0] : i32 from vector<1xi32>
        %get3A_818 = arith.constant 0 : i32
        %get3A_819 = arith.index_cast %squeeze3A_817 : i32 to index
        %get3A_820 = arith.index_cast %get3A_818 : i32 to index
        %get3A_821 = arith.constant 0 : index
        %get3A_822 = tpu.vector_load %arg9[%get3A_819, %get3A_820, %get3A_821] {strides = array<i32>} : memref<256x1x16xi32, #tpu.memory_space<vmem>>, vector<1x1x16xi32>,
        %get3A_823 = vector.shape_cast %get3A_822 : vector<1x1x16xi32> to vector<16xi32>
        %xor3A_824 = arith.xori %get3A_805, %get3A_823 : vector<16xi32>
        %add3A_825 = arith.addi %add3A_777, %xor3A_824 : vector<16xi32>
        %slice3A_826 = vector.extract_strided_slice %get3A_405 {offsets = [8], sizes = [1], strides = [1]} : vector<16xi32> to vector<1xi32>
        %squeeze3A_827 = vector.extract %slice3A_826[0] : i32 from vector<1xi32>
        %get3A_828 = arith.constant 0 : i32
        %get3A_829 = arith.index_cast %squeeze3A_827 : i32 to index
        %get3A_830 = arith.index_cast %get3A_828 : i32 to index
        %get3A_831 = arith.constant 0 : index
        %get3A_832 = tpu.vector_load %arg9[%get3A_829, %get3A_830, %get3A_831] {strides = array<i32>} : memref<256x1x16xi32, #tpu.memory_space<vmem>>, vector<1x1x16xi32>,
        %get3A_833 = vector.shape_cast %get3A_832 : vector<1x1x16xi32> to vector<16xi32>
        %xor3A_834 = arith.xori %get3A_805, %get3A_833 : vector<16xi32>
        %add3A_835 = arith.addi %add3A_787, %xor3A_834 : vector<16xi32>
        %slice3A_836 = vector.extract_strided_slice %get3A_412 {offsets = [8], sizes = [1], strides = [1]} : vector<16xi32> to vector<1xi32>
        %squeeze3A_837 = vector.extract %slice3A_836[0] : i32 from vector<1xi32>
        %get3A_838 = arith.constant 0 : i32
        %get3A_839 = arith.index_cast %squeeze3A_837 : i32 to index
        %get3A_840 = arith.index_cast %get3A_838 : i32 to index
        %get3A_841 = arith.constant 0 : index
        %get3A_842 = tpu.vector_load %arg9[%get3A_839, %get3A_840, %get3A_841] {strides = array<i32>} : memref<256x1x16xi32, #tpu.memory_space<vmem>>, vector<1x1x16xi32>,
        %get3A_843 = vector.shape_cast %get3A_842 : vector<1x1x16xi32> to vector<16xi32>
        %xor3A_844 = arith.xori %get3A_805, %get3A_843 : vector<16xi32>
        %add3A_845 = arith.addi %add3A_797, %xor3A_844 : vector<16xi32>
        %add3A_846 = arith.constant 9 : i32
        %add3A_847 = arith.addi %mul3A_414, %add3A_846 : i32
        %get3A_848 = arith.constant 0 : i32
        %get3A_849 = arith.index_cast %add3A_847 : i32 to index
        %get3A_850 = arith.index_cast %get3A_848 : i32 to index
        %get3A_851 = arith.constant 0 : index
        %get3A_852 = tpu.vector_load %arg8[%get3A_849, %get3A_850, %get3A_851] {strides = array<i32>} : memref<1024x1x16xi32, #tpu.memory_space<vmem>>, vector<1x1x16xi32>,
        %get3A_853 = vector.shape_cast %get3A_852 : vector<1x1x16xi32> to vector<16xi32>
        %slice3A_854 = vector.extract_strided_slice %get3A_391 {offsets = [9], sizes = [1], strides = [1]} : vector<16xi32> to vector<1xi32>
        %squeeze3A_855 = vector.extract %slice3A_854[0] : i32 from vector<1xi32>
        %get3A_856 = arith.constant 0 : i32
        %get3A_857 = arith.index_cast %squeeze3A_855 : i32 to index
        %get3A_858 = arith.index_cast %get3A_856 : i32 to index
        %get3A_859 = arith.constant 0 : index
        %get3A_860 = tpu.vector_load %arg9[%get3A_857, %get3A_858, %get3A_859] {strides = array<i32>} : memref<256x1x16xi32, #tpu.memory_space<vmem>>, vector<1x1x16xi32>,
        %get3A_861 = vector.shape_cast %get3A_860 : vector<1x1x16xi32> to vector<16xi32>
        %xor3A_862 = arith.xori %get3A_853, %get3A_861 : vector<16xi32>
        %add3A_863 = arith.addi %add3A_815, %xor3A_862 : vector<16xi32>
        %slice3A_864 = vector.extract_strided_slice %get3A_398 {offsets = [9], sizes = [1], strides = [1]} : vector<16xi32> to vector<1xi32>
        %squeeze3A_865 = vector.extract %slice3A_864[0] : i32 from vector<1xi32>
        %get3A_866 = arith.constant 0 : i32
        %get3A_867 = arith.index_cast %squeeze3A_865 : i32 to index
        %get3A_868 = arith.index_cast %get3A_866 : i32 to index
        %get3A_869 = arith.constant 0 : index
        %get3A_870 = tpu.vector_load %arg9[%get3A_867, %get3A_868, %get3A_869] {strides = array<i32>} : memref<256x1x16xi32, #tpu.memory_space<vmem>>, vector<1x1x16xi32>,
        %get3A_871 = vector.shape_cast %get3A_870 : vector<1x1x16xi32> to vector<16xi32>
        %xor3A_872 = arith.xori %get3A_853, %get3A_871 : vector<16xi32>
        %add3A_873 = arith.addi %add3A_825, %xor3A_872 : vector<16xi32>
        %slice3A_874 = vector.extract_strided_slice %get3A_405 {offsets = [9], sizes = [1], strides = [1]} : vector<16xi32> to vector<1xi32>
        %squeeze3A_875 = vector.extract %slice3A_874[0] : i32 from vector<1xi32>
        %get3A_876 = arith.constant 0 : i32
        %get3A_877 = arith.index_cast %squeeze3A_875 : i32 to index
        %get3A_878 = arith.index_cast %get3A_876 : i32 to index
        %get3A_879 = arith.constant 0 : index
        %get3A_880 = tpu.vector_load %arg9[%get3A_877, %get3A_878, %get3A_879] {strides = array<i32>} : memref<256x1x16xi32, #tpu.memory_space<vmem>>, vector<1x1x16xi32>,
        %get3A_881 = vector.shape_cast %get3A_880 : vector<1x1x16xi32> to vector<16xi32>
        %xor3A_882 = arith.xori %get3A_853, %get3A_881 : vector<16xi32>
        %add3A_883 = arith.addi %add3A_835, %xor3A_882 : vector<16xi32>
        %slice3A_884 = vector.extract_strided_slice %get3A_412 {offsets = [9], sizes = [1], strides = [1]} : vector<16xi32> to vector<1xi32>
        %squeeze3A_885 = vector.extract %slice3A_884[0] : i32 from vector<1xi32>
        %get3A_886 = arith.constant 0 : i32
        %get3A_887 = arith.index_cast %squeeze3A_885 : i32 to index
        %get3A_888 = arith.index_cast %get3A_886 : i32 to index
        %get3A_889 = arith.constant 0 : index
        %get3A_890 = tpu.vector_load %arg9[%get3A_887, %get3A_888, %get3A_889] {strides = array<i32>} : memref<256x1x16xi32, #tpu.memory_space<vmem>>, vector<1x1x16xi32>,
        %get3A_891 = vector.shape_cast %get3A_890 : vector<1x1x16xi32> to vector<16xi32>
        %xor3A_892 = arith.xori %get3A_853, %get3A_891 : vector<16xi32>
        %add3A_893 = arith.addi %add3A_845, %xor3A_892 : vector<16xi32>
        %add3A_894 = arith.constant 10 : i32
        %add3A_895 = arith.addi %mul3A_414, %add3A_894 : i32
        %get3A_896 = arith.constant 0 : i32
        %get3A_897 = arith.index_cast %add3A_895 : i32 to index
        %get3A_898 = arith.index_cast %get3A_896 : i32 to index
        %get3A_899 = arith.constant 0 : index
        %get3A_900 = tpu.vector_load %arg8[%get3A_897, %get3A_898, %get3A_899] {strides = array<i32>} : memref<1024x1x16xi32, #tpu.memory_space<vmem>>, vector<1x1x16xi32>,
        %get3A_901 = vector.shape_cast %get3A_900 : vector<1x1x16xi32> to vector<16xi32>
        %slice3A_902 = vector.extract_strided_slice %get3A_391 {offsets = [10], sizes = [1], strides = [1]} : vector<16xi32> to vector<1xi32>
        %squeeze3A_903 = vector.extract %slice3A_902[0] : i32 from vector<1xi32>
        %get3A_904 = arith.constant 0 : i32
        %get3A_905 = arith.index_cast %squeeze3A_903 : i32 to index
        %get3A_906 = arith.index_cast %get3A_904 : i32 to index
        %get3A_907 = arith.constant 0 : index
        %get3A_908 = tpu.vector_load %arg9[%get3A_905, %get3A_906, %get3A_907] {strides = array<i32>} : memref<256x1x16xi32, #tpu.memory_space<vmem>>, vector<1x1x16xi32>,
        %get3A_909 = vector.shape_cast %get3A_908 : vector<1x1x16xi32> to vector<16xi32>
        %xor3A_910 = arith.xori %get3A_901, %get3A_909 : vector<16xi32>
        %add3A_911 = arith.addi %add3A_863, %xor3A_910 : vector<16xi32>
        %slice3A_912 = vector.extract_strided_slice %get3A_398 {offsets = [10], sizes = [1], strides = [1]} : vector<16xi32> to vector<1xi32>
        %squeeze3A_913 = vector.extract %slice3A_912[0] : i32 from vector<1xi32>
        %get3A_914 = arith.constant 0 : i32
        %get3A_915 = arith.index_cast %squeeze3A_913 : i32 to index
        %get3A_916 = arith.index_cast %get3A_914 : i32 to index
        %get3A_917 = arith.constant 0 : index
        %get3A_918 = tpu.vector_load %arg9[%get3A_915, %get3A_916, %get3A_917] {strides = array<i32>} : memref<256x1x16xi32, #tpu.memory_space<vmem>>, vector<1x1x16xi32>,
        %get3A_919 = vector.shape_cast %get3A_918 : vector<1x1x16xi32> to vector<16xi32>
        %xor3A_920 = arith.xori %get3A_901, %get3A_919 : vector<16xi32>
        %add3A_921 = arith.addi %add3A_873, %xor3A_920 : vector<16xi32>
        %slice3A_922 = vector.extract_strided_slice %get3A_405 {offsets = [10], sizes = [1], strides = [1]} : vector<16xi32> to vector<1xi32>
        %squeeze3A_923 = vector.extract %slice3A_922[0] : i32 from vector<1xi32>
        %get3A_924 = arith.constant 0 : i32
        %get3A_925 = arith.index_cast %squeeze3A_923 : i32 to index
        %get3A_926 = arith.index_cast %get3A_924 : i32 to index
        %get3A_927 = arith.constant 0 : index
        %get3A_928 = tpu.vector_load %arg9[%get3A_925, %get3A_926, %get3A_927] {strides = array<i32>} : memref<256x1x16xi32, #tpu.memory_space<vmem>>, vector<1x1x16xi32>,
        %get3A_929 = vector.shape_cast %get3A_928 : vector<1x1x16xi32> to vector<16xi32>
        %xor3A_930 = arith.xori %get3A_901, %get3A_929 : vector<16xi32>
        %add3A_931 = arith.addi %add3A_883, %xor3A_930 : vector<16xi32>
        %slice3A_932 = vector.extract_strided_slice %get3A_412 {offsets = [10], sizes = [1], strides = [1]} : vector<16xi32> to vector<1xi32>
        %squeeze3A_933 = vector.extract %slice3A_932[0] : i32 from vector<1xi32>
        %get3A_934 = arith.constant 0 : i32
        %get3A_935 = arith.index_cast %squeeze3A_933 : i32 to index
        %get3A_936 = arith.index_cast %get3A_934 : i32 to index
        %get3A_937 = arith.constant 0 : index
        %get3A_938 = tpu.vector_load %arg9[%get3A_935, %get3A_936, %get3A_937] {strides = array<i32>} : memref<256x1x16xi32, #tpu.memory_space<vmem>>, vector<1x1x16xi32>,
        %get3A_939 = vector.shape_cast %get3A_938 : vector<1x1x16xi32> to vector<16xi32>
        %xor3A_940 = arith.xori %get3A_901, %get3A_939 : vector<16xi32>
        %add3A_941 = arith.addi %add3A_893, %xor3A_940 : vector<16xi32>
        %add3A_942 = arith.constant 11 : i32
        %add3A_943 = arith.addi %mul3A_414, %add3A_942 : i32
        %get3A_944 = arith.constant 0 : i32
        %get3A_945 = arith.index_cast %add3A_943 : i32 to index
        %get3A_946 = arith.index_cast %get3A_944 : i32 to index
        %get3A_947 = arith.constant 0 : index
        %get3A_948 = tpu.vector_load %arg8[%get3A_945, %get3A_946, %get3A_947] {strides = array<i32>} : memref<1024x1x16xi32, #tpu.memory_space<vmem>>, vector<1x1x16xi32>,
        %get3A_949 = vector.shape_cast %get3A_948 : vector<1x1x16xi32> to vector<16xi32>
        %slice3A_950 = vector.extract_strided_slice %get3A_391 {offsets = [11], sizes = [1], strides = [1]} : vector<16xi32> to vector<1xi32>
        %squeeze3A_951 = vector.extract %slice3A_950[0] : i32 from vector<1xi32>
        %get3A_952 = arith.constant 0 : i32
        %get3A_953 = arith.index_cast %squeeze3A_951 : i32 to index
        %get3A_954 = arith.index_cast %get3A_952 : i32 to index
        %get3A_955 = arith.constant 0 : index
        %get3A_956 = tpu.vector_load %arg9[%get3A_953, %get3A_954, %get3A_955] {strides = array<i32>} : memref<256x1x16xi32, #tpu.memory_space<vmem>>, vector<1x1x16xi32>,
        %get3A_957 = vector.shape_cast %get3A_956 : vector<1x1x16xi32> to vector<16xi32>
        %xor3A_958 = arith.xori %get3A_949, %get3A_957 : vector<16xi32>
        %add3A_959 = arith.addi %add3A_911, %xor3A_958 : vector<16xi32>
        %slice3A_960 = vector.extract_strided_slice %get3A_398 {offsets = [11], sizes = [1], strides = [1]} : vector<16xi32> to vector<1xi32>
        %squeeze3A_961 = vector.extract %slice3A_960[0] : i32 from vector<1xi32>
        %get3A_962 = arith.constant 0 : i32
        %get3A_963 = arith.index_cast %squeeze3A_961 : i32 to index
        %get3A_964 = arith.index_cast %get3A_962 : i32 to index
        %get3A_965 = arith.constant 0 : index
        %get3A_966 = tpu.vector_load %arg9[%get3A_963, %get3A_964, %get3A_965] {strides = array<i32>} : memref<256x1x16xi32, #tpu.memory_space<vmem>>, vector<1x1x16xi32>,
        %get3A_967 = vector.shape_cast %get3A_966 : vector<1x1x16xi32> to vector<16xi32>
        %xor3A_968 = arith.xori %get3A_949, %get3A_967 : vector<16xi32>
        %add3A_969 = arith.addi %add3A_921, %xor3A_968 : vector<16xi32>
        %slice3A_970 = vector.extract_strided_slice %get3A_405 {offsets = [11], sizes = [1], strides = [1]} : vector<16xi32> to vector<1xi32>
        %squeeze3A_971 = vector.extract %slice3A_970[0] : i32 from vector<1xi32>
        %get3A_972 = arith.constant 0 : i32
        %get3A_973 = arith.index_cast %squeeze3A_971 : i32 to index
        %get3A_974 = arith.index_cast %get3A_972 : i32 to index
        %get3A_975 = arith.constant 0 : index
        %get3A_976 = tpu.vector_load %arg9[%get3A_973, %get3A_974, %get3A_975] {strides = array<i32>} : memref<256x1x16xi32, #tpu.memory_space<vmem>>, vector<1x1x16xi32>,
        %get3A_977 = vector.shape_cast %get3A_976 : vector<1x1x16xi32> to vector<16xi32>
        %xor3A_978 = arith.xori %get3A_949, %get3A_977 : vector<16xi32>
        %add3A_979 = arith.addi %add3A_931, %xor3A_978 : vector<16xi32>
        %slice3A_980 = vector.extract_strided_slice %get3A_412 {offsets = [11], sizes = [1], strides = [1]} : vector<16xi32> to vector<1xi32>
        %squeeze3A_981 = vector.extract %slice3A_980[0] : i32 from vector<1xi32>
        %get3A_982 = arith.constant 0 : i32
        %get3A_983 = arith.index_cast %squeeze3A_981 : i32 to index
        %get3A_984 = arith.index_cast %get3A_982 : i32 to index
        %get3A_985 = arith.constant 0 : index
        %get3A_986 = tpu.vector_load %arg9[%get3A_983, %get3A_984, %get3A_985] {strides = array<i32>} : memref<256x1x16xi32, #tpu.memory_space<vmem>>, vector<1x1x16xi32>,
        %get3A_987 = vector.shape_cast %get3A_986 : vector<1x1x16xi32> to vector<16xi32>
        %xor3A_988 = arith.xori %get3A_949, %get3A_987 : vector<16xi32>
        %add3A_989 = arith.addi %add3A_941, %xor3A_988 : vector<16xi32>
        %add3A_990 = arith.constant 12 : i32
        %add3A_991 = arith.addi %mul3A_414, %add3A_990 : i32
        %get3A_992 = arith.constant 0 : i32
        %get3A_993 = arith.index_cast %add3A_991 : i32 to index
        %get3A_994 = arith.index_cast %get3A_992 : i32 to index
        %get3A_995 = arith.constant 0 : index
        %get3A_996 = tpu.vector_load %arg8[%get3A_993, %get3A_994, %get3A_995] {strides = array<i32>} : memref<1024x1x16xi32, #tpu.memory_space<vmem>>, vector<1x1x16xi32>,
        %get3A_997 = vector.shape_cast %get3A_996 : vector<1x1x16xi32> to vector<16xi32>
        %slice3A_998 = vector.extract_strided_slice %get3A_391 {offsets = [12], sizes = [1], strides = [1]} : vector<16xi32> to vector<1xi32>
        %squeeze3A_999 = vector.extract %slice3A_998[0] : i32 from vector<1xi32>
        %get3A_1000 = arith.constant 0 : i32
        %get3A_1001 = arith.index_cast %squeeze3A_999 : i32 to index
        %get3A_1002 = arith.index_cast %get3A_1000 : i32 to index
        %get3A_1003 = arith.constant 0 : index
        %get3A_1004 = tpu.vector_load %arg9[%get3A_1001, %get3A_1002, %get3A_1003] {strides = array<i32>} : memref<256x1x16xi32, #tpu.memory_space<vmem>>, vector<1x1x16xi32>,
        %get3A_1005 = vector.shape_cast %get3A_1004 : vector<1x1x16xi32> to vector<16xi32>
        %xor3A_1006 = arith.xori %get3A_997, %get3A_1005 : vector<16xi32>
        %add3A_1007 = arith.addi %add3A_959, %xor3A_1006 : vector<16xi32>
        %slice3A_1008 = vector.extract_strided_slice %get3A_398 {offsets = [12], sizes = [1], strides = [1]} : vector<16xi32> to vector<1xi32>
        %squeeze3A_1009 = vector.extract %slice3A_1008[0] : i32 from vector<1xi32>
        %get3A_1010 = arith.constant 0 : i32
        %get3A_1011 = arith.index_cast %squeeze3A_1009 : i32 to index
        %get3A_1012 = arith.index_cast %get3A_1010 : i32 to index
        %get3A_1013 = arith.constant 0 : index
        %get3A_1014 = tpu.vector_load %arg9[%get3A_1011, %get3A_1012, %get3A_1013] {strides = array<i32>} : memref<256x1x16xi32, #tpu.memory_space<vmem>>, vector<1x1x16xi32>,
        %get3A_1015 = vector.shape_cast %get3A_1014 : vector<1x1x16xi32> to vector<16xi32>
        %xor3A_1016 = arith.xori %get3A_997, %get3A_1015 : vector<16xi32>
        %add3A_1017 = arith.addi %add3A_969, %xor3A_1016 : vector<16xi32>
        %slice3A_1018 = vector.extract_strided_slice %get3A_405 {offsets = [12], sizes = [1], strides = [1]} : vector<16xi32> to vector<1xi32>
        %squeeze3A_1019 = vector.extract %slice3A_1018[0] : i32 from vector<1xi32>
        %get3A_1020 = arith.constant 0 : i32
        %get3A_1021 = arith.index_cast %squeeze3A_1019 : i32 to index
        %get3A_1022 = arith.index_cast %get3A_1020 : i32 to index
        %get3A_1023 = arith.constant 0 : index
        %get3A_1024 = tpu.vector_load %arg9[%get3A_1021, %get3A_1022, %get3A_1023] {strides = array<i32>} : memref<256x1x16xi32, #tpu.memory_space<vmem>>, vector<1x1x16xi32>,
        %get3A_1025 = vector.shape_cast %get3A_1024 : vector<1x1x16xi32> to vector<16xi32>
        %xor3A_1026 = arith.xori %get3A_997, %get3A_1025 : vector<16xi32>
        %add3A_1027 = arith.addi %add3A_979, %xor3A_1026 : vector<16xi32>
        %slice3A_1028 = vector.extract_strided_slice %get3A_412 {offsets = [12], sizes = [1], strides = [1]} : vector<16xi32> to vector<1xi32>
        %squeeze3A_1029 = vector.extract %slice3A_1028[0] : i32 from vector<1xi32>
        %get3A_1030 = arith.constant 0 : i32
        %get3A_1031 = arith.index_cast %squeeze3A_1029 : i32 to index
        %get3A_1032 = arith.index_cast %get3A_1030 : i32 to index
        %get3A_1033 = arith.constant 0 : index
        %get3A_1034 = tpu.vector_load %arg9[%get3A_1031, %get3A_1032, %get3A_1033] {strides = array<i32>} : memref<256x1x16xi32, #tpu.memory_space<vmem>>, vector<1x1x16xi32>,
        %get3A_1035 = vector.shape_cast %get3A_1034 : vector<1x1x16xi32> to vector<16xi32>
        %xor3A_1036 = arith.xori %get3A_997, %get3A_1035 : vector<16xi32>
        %add3A_1037 = arith.addi %add3A_989, %xor3A_1036 : vector<16xi32>
        %add3A_1038 = arith.constant 13 : i32
        %add3A_1039 = arith.addi %mul3A_414, %add3A_1038 : i32
        %get3A_1040 = arith.constant 0 : i32
        %get3A_1041 = arith.index_cast %add3A_1039 : i32 to index
        %get3A_1042 = arith.index_cast %get3A_1040 : i32 to index
        %get3A_1043 = arith.constant 0 : index
        %get3A_1044 = tpu.vector_load %arg8[%get3A_1041, %get3A_1042, %get3A_1043] {strides = array<i32>} : memref<1024x1x16xi32, #tpu.memory_space<vmem>>, vector<1x1x16xi32>,
        %get3A_1045 = vector.shape_cast %get3A_1044 : vector<1x1x16xi32> to vector<16xi32>
        %slice3A_1046 = vector.extract_strided_slice %get3A_391 {offsets = [13], sizes = [1], strides = [1]} : vector<16xi32> to vector<1xi32>
        %squeeze3A_1047 = vector.extract %slice3A_1046[0] : i32 from vector<1xi32>
        %get3A_1048 = arith.constant 0 : i32
        %get3A_1049 = arith.index_cast %squeeze3A_1047 : i32 to index
        %get3A_1050 = arith.index_cast %get3A_1048 : i32 to index
        %get3A_1051 = arith.constant 0 : index
        %get3A_1052 = tpu.vector_load %arg9[%get3A_1049, %get3A_1050, %get3A_1051] {strides = array<i32>} : memref<256x1x16xi32, #tpu.memory_space<vmem>>, vector<1x1x16xi32>,
        %get3A_1053 = vector.shape_cast %get3A_1052 : vector<1x1x16xi32> to vector<16xi32>
        %xor3A_1054 = arith.xori %get3A_1045, %get3A_1053 : vector<16xi32>
        %add3A_1055 = arith.addi %add3A_1007, %xor3A_1054 : vector<16xi32>
        %slice3A_1056 = vector.extract_strided_slice %get3A_398 {offsets = [13], sizes = [1], strides = [1]} : vector<16xi32> to vector<1xi32>
        %squeeze3A_1057 = vector.extract %slice3A_1056[0] : i32 from vector<1xi32>
        %get3A_1058 = arith.constant 0 : i32
        %get3A_1059 = arith.index_cast %squeeze3A_1057 : i32 to index
        %get3A_1060 = arith.index_cast %get3A_1058 : i32 to index
        %get3A_1061 = arith.constant 0 : index
        %get3A_1062 = tpu.vector_load %arg9[%get3A_1059, %get3A_1060, %get3A_1061] {strides = array<i32>} : memref<256x1x16xi32, #tpu.memory_space<vmem>>, vector<1x1x16xi32>,
        %get3A_1063 = vector.shape_cast %get3A_1062 : vector<1x1x16xi32> to vector<16xi32>
        %xor3A_1064 = arith.xori %get3A_1045, %get3A_1063 : vector<16xi32>
        %add3A_1065 = arith.addi %add3A_1017, %xor3A_1064 : vector<16xi32>
        %slice3A_1066 = vector.extract_strided_slice %get3A_405 {offsets = [13], sizes = [1], strides = [1]} : vector<16xi32> to vector<1xi32>
        %squeeze3A_1067 = vector.extract %slice3A_1066[0] : i32 from vector<1xi32>
        %get3A_1068 = arith.constant 0 : i32
        %get3A_1069 = arith.index_cast %squeeze3A_1067 : i32 to index
        %get3A_1070 = arith.index_cast %get3A_1068 : i32 to index
        %get3A_1071 = arith.constant 0 : index
        %get3A_1072 = tpu.vector_load %arg9[%get3A_1069, %get3A_1070, %get3A_1071] {strides = array<i32>} : memref<256x1x16xi32, #tpu.memory_space<vmem>>, vector<1x1x16xi32>,
        %get3A_1073 = vector.shape_cast %get3A_1072 : vector<1x1x16xi32> to vector<16xi32>
        %xor3A_1074 = arith.xori %get3A_1045, %get3A_1073 : vector<16xi32>
        %add3A_1075 = arith.addi %add3A_1027, %xor3A_1074 : vector<16xi32>
        %slice3A_1076 = vector.extract_strided_slice %get3A_412 {offsets = [13], sizes = [1], strides = [1]} : vector<16xi32> to vector<1xi32>
        %squeeze3A_1077 = vector.extract %slice3A_1076[0] : i32 from vector<1xi32>
        %get3A_1078 = arith.constant 0 : i32
        %get3A_1079 = arith.index_cast %squeeze3A_1077 : i32 to index
        %get3A_1080 = arith.index_cast %get3A_1078 : i32 to index
        %get3A_1081 = arith.constant 0 : index
        %get3A_1082 = tpu.vector_load %arg9[%get3A_1079, %get3A_1080, %get3A_1081] {strides = array<i32>} : memref<256x1x16xi32, #tpu.memory_space<vmem>>, vector<1x1x16xi32>,
        %get3A_1083 = vector.shape_cast %get3A_1082 : vector<1x1x16xi32> to vector<16xi32>
        %xor3A_1084 = arith.xori %get3A_1045, %get3A_1083 : vector<16xi32>
        %add3A_1085 = arith.addi %add3A_1037, %xor3A_1084 : vector<16xi32>
        %add3A_1086 = arith.constant 14 : i32
        %add3A_1087 = arith.addi %mul3A_414, %add3A_1086 : i32
        %get3A_1088 = arith.constant 0 : i32
        %get3A_1089 = arith.index_cast %add3A_1087 : i32 to index
        %get3A_1090 = arith.index_cast %get3A_1088 : i32 to index
        %get3A_1091 = arith.constant 0 : index
        %get3A_1092 = tpu.vector_load %arg8[%get3A_1089, %get3A_1090, %get3A_1091] {strides = array<i32>} : memref<1024x1x16xi32, #tpu.memory_space<vmem>>, vector<1x1x16xi32>,
        %get3A_1093 = vector.shape_cast %get3A_1092 : vector<1x1x16xi32> to vector<16xi32>
        %slice3A_1094 = vector.extract_strided_slice %get3A_391 {offsets = [14], sizes = [1], strides = [1]} : vector<16xi32> to vector<1xi32>
        %squeeze3A_1095 = vector.extract %slice3A_1094[0] : i32 from vector<1xi32>
        %get3A_1096 = arith.constant 0 : i32
        %get3A_1097 = arith.index_cast %squeeze3A_1095 : i32 to index
        %get3A_1098 = arith.index_cast %get3A_1096 : i32 to index
        %get3A_1099 = arith.constant 0 : index
        %get3A_1100 = tpu.vector_load %arg9[%get3A_1097, %get3A_1098, %get3A_1099] {strides = array<i32>} : memref<256x1x16xi32, #tpu.memory_space<vmem>>, vector<1x1x16xi32>,
        %get3A_1101 = vector.shape_cast %get3A_1100 : vector<1x1x16xi32> to vector<16xi32>
        %xor3A_1102 = arith.xori %get3A_1093, %get3A_1101 : vector<16xi32>
        %add3A_1103 = arith.addi %add3A_1055, %xor3A_1102 : vector<16xi32>
        %slice3A_1104 = vector.extract_strided_slice %get3A_398 {offsets = [14], sizes = [1], strides = [1]} : vector<16xi32> to vector<1xi32>
        %squeeze3A_1105 = vector.extract %slice3A_1104[0] : i32 from vector<1xi32>
        %get3A_1106 = arith.constant 0 : i32
        %get3A_1107 = arith.index_cast %squeeze3A_1105 : i32 to index
        %get3A_1108 = arith.index_cast %get3A_1106 : i32 to index
        %get3A_1109 = arith.constant 0 : index
        %get3A_1110 = tpu.vector_load %arg9[%get3A_1107, %get3A_1108, %get3A_1109] {strides = array<i32>} : memref<256x1x16xi32, #tpu.memory_space<vmem>>, vector<1x1x16xi32>,
        %get3A_1111 = vector.shape_cast %get3A_1110 : vector<1x1x16xi32> to vector<16xi32>
        %xor3A_1112 = arith.xori %get3A_1093, %get3A_1111 : vector<16xi32>
        %add3A_1113 = arith.addi %add3A_1065, %xor3A_1112 : vector<16xi32>
        %slice3A_1114 = vector.extract_strided_slice %get3A_405 {offsets = [14], sizes = [1], strides = [1]} : vector<16xi32> to vector<1xi32>
        %squeeze3A_1115 = vector.extract %slice3A_1114[0] : i32 from vector<1xi32>
        %get3A_1116 = arith.constant 0 : i32
        %get3A_1117 = arith.index_cast %squeeze3A_1115 : i32 to index
        %get3A_1118 = arith.index_cast %get3A_1116 : i32 to index
        %get3A_1119 = arith.constant 0 : index
        %get3A_1120 = tpu.vector_load %arg9[%get3A_1117, %get3A_1118, %get3A_1119] {strides = array<i32>} : memref<256x1x16xi32, #tpu.memory_space<vmem>>, vector<1x1x16xi32>,
        %get3A_1121 = vector.shape_cast %get3A_1120 : vector<1x1x16xi32> to vector<16xi32>
        %xor3A_1122 = arith.xori %get3A_1093, %get3A_1121 : vector<16xi32>
        %add3A_1123 = arith.addi %add3A_1075, %xor3A_1122 : vector<16xi32>
        %slice3A_1124 = vector.extract_strided_slice %get3A_412 {offsets = [14], sizes = [1], strides = [1]} : vector<16xi32> to vector<1xi32>
        %squeeze3A_1125 = vector.extract %slice3A_1124[0] : i32 from vector<1xi32>
        %get3A_1126 = arith.constant 0 : i32
        %get3A_1127 = arith.index_cast %squeeze3A_1125 : i32 to index
        %get3A_1128 = arith.index_cast %get3A_1126 : i32 to index
        %get3A_1129 = arith.constant 0 : index
        %get3A_1130 = tpu.vector_load %arg9[%get3A_1127, %get3A_1128, %get3A_1129] {strides = array<i32>} : memref<256x1x16xi32, #tpu.memory_space<vmem>>, vector<1x1x16xi32>,
        %get3A_1131 = vector.shape_cast %get3A_1130 : vector<1x1x16xi32> to vector<16xi32>
        %xor3A_1132 = arith.xori %get3A_1093, %get3A_1131 : vector<16xi32>
        %add3A_1133 = arith.addi %add3A_1085, %xor3A_1132 : vector<16xi32>
        %add3A_1134 = arith.constant 15 : i32
        %add3A_1135 = arith.addi %mul3A_414, %add3A_1134 : i32
        %get3A_1136 = arith.constant 0 : i32
        %get3A_1137 = arith.index_cast %add3A_1135 : i32 to index
        %get3A_1138 = arith.index_cast %get3A_1136 : i32 to index
        %get3A_1139 = arith.constant 0 : index
        %get3A_1140 = tpu.vector_load %arg8[%get3A_1137, %get3A_1138, %get3A_1139] {strides = array<i32>} : memref<1024x1x16xi32, #tpu.memory_space<vmem>>, vector<1x1x16xi32>,
        %get3A_1141 = vector.shape_cast %get3A_1140 : vector<1x1x16xi32> to vector<16xi32>
        %slice3A_1142 = vector.extract_strided_slice %get3A_391 {offsets = [15], sizes = [1], strides = [1]} : vector<16xi32> to vector<1xi32>
        %squeeze3A_1143 = vector.extract %slice3A_1142[0] : i32 from vector<1xi32>
        %get3A_1144 = arith.constant 0 : i32
        %get3A_1145 = arith.index_cast %squeeze3A_1143 : i32 to index
        %get3A_1146 = arith.index_cast %get3A_1144 : i32 to index
        %get3A_1147 = arith.constant 0 : index
        %get3A_1148 = tpu.vector_load %arg9[%get3A_1145, %get3A_1146, %get3A_1147] {strides = array<i32>} : memref<256x1x16xi32, #tpu.memory_space<vmem>>, vector<1x1x16xi32>,
        %get3A_1149 = vector.shape_cast %get3A_1148 : vector<1x1x16xi32> to vector<16xi32>
        %xor3A_1150 = arith.xori %get3A_1141, %get3A_1149 : vector<16xi32>
        %add3A_1151 = arith.addi %add3A_1103, %xor3A_1150 : vector<16xi32>
        %slice3A_1152 = vector.extract_strided_slice %get3A_398 {offsets = [15], sizes = [1], strides = [1]} : vector<16xi32> to vector<1xi32>
        %squeeze3A_1153 = vector.extract %slice3A_1152[0] : i32 from vector<1xi32>
        %get3A_1154 = arith.constant 0 : i32
        %get3A_1155 = arith.index_cast %squeeze3A_1153 : i32 to index
        %get3A_1156 = arith.index_cast %get3A_1154 : i32 to index
        %get3A_1157 = arith.constant 0 : index
        %get3A_1158 = tpu.vector_load %arg9[%get3A_1155, %get3A_1156, %get3A_1157] {strides = array<i32>} : memref<256x1x16xi32, #tpu.memory_space<vmem>>, vector<1x1x16xi32>,
        %get3A_1159 = vector.shape_cast %get3A_1158 : vector<1x1x16xi32> to vector<16xi32>
        %xor3A_1160 = arith.xori %get3A_1141, %get3A_1159 : vector<16xi32>
        %add3A_1161 = arith.addi %add3A_1113, %xor3A_1160 : vector<16xi32>
        %slice3A_1162 = vector.extract_strided_slice %get3A_405 {offsets = [15], sizes = [1], strides = [1]} : vector<16xi32> to vector<1xi32>
        %squeeze3A_1163 = vector.extract %slice3A_1162[0] : i32 from vector<1xi32>
        %get3A_1164 = arith.constant 0 : i32
        %get3A_1165 = arith.index_cast %squeeze3A_1163 : i32 to index
        %get3A_1166 = arith.index_cast %get3A_1164 : i32 to index
        %get3A_1167 = arith.constant 0 : index
        %get3A_1168 = tpu.vector_load %arg9[%get3A_1165, %get3A_1166, %get3A_1167] {strides = array<i32>} : memref<256x1x16xi32, #tpu.memory_space<vmem>>, vector<1x1x16xi32>,
        %get3A_1169 = vector.shape_cast %get3A_1168 : vector<1x1x16xi32> to vector<16xi32>
        %xor3A_1170 = arith.xori %get3A_1141, %get3A_1169 : vector<16xi32>
        %add3A_1171 = arith.addi %add3A_1123, %xor3A_1170 : vector<16xi32>
        %slice3A_1172 = vector.extract_strided_slice %get3A_412 {offsets = [15], sizes = [1], strides = [1]} : vector<16xi32> to vector<1xi32>
        %squeeze3A_1173 = vector.extract %slice3A_1172[0] : i32 from vector<1xi32>
        %get3A_1174 = arith.constant 0 : i32
        %get3A_1175 = arith.index_cast %squeeze3A_1173 : i32 to index
        %get3A_1176 = arith.index_cast %get3A_1174 : i32 to index
        %get3A_1177 = arith.constant 0 : index
        %get3A_1178 = tpu.vector_load %arg9[%get3A_1175, %get3A_1176, %get3A_1177] {strides = array<i32>} : memref<256x1x16xi32, #tpu.memory_space<vmem>>, vector<1x1x16xi32>,
        %get3A_1179 = vector.shape_cast %get3A_1178 : vector<1x1x16xi32> to vector<16xi32>
        %xor3A_1180 = arith.xori %get3A_1141, %get3A_1179 : vector<16xi32>
        %add3A_1181 = arith.addi %add3A_1133, %xor3A_1180 : vector<16xi32>
        %and3A = arith.constant 255 : i32
        %and3A_1182 = vector.broadcast %and3A : i32 to vector<16xi32>
        %and3A_1183 = arith.andi %add3A_1151, %and3A_1182 : vector<16xi32>
        %add3A_1184 = arith.addi %scan3A_370, %and3A_1183 : vector<16xi32>
        %shift_right_logical3A = arith.constant 8 : i32
        %shift_right_logical3A_1185 = vector.broadcast %shift_right_logical3A : i32 to vector<16xi32>
        %shift_right_logical3A_1186 = arith.shrui %add3A_1151, %shift_right_logical3A_1185 : vector<16xi32>
        %and3A_1187 = arith.constant 255 : i32
        %and3A_1188 = vector.broadcast %and3A_1187 : i32 to vector<16xi32>
        %and3A_1189 = arith.andi %shift_right_logical3A_1186, %and3A_1188 : vector<16xi32>
        %add3A_1190 = arith.addi %scan3A_371, %and3A_1189 : vector<16xi32>
        %shift_right_logical3A_1191 = arith.constant 16 : i32
        %shift_right_logical3A_1192 = vector.broadcast %shift_right_logical3A_1191 : i32 to vector<16xi32>
        %shift_right_logical3A_1193 = arith.shrui %add3A_1151, %shift_right_logical3A_1192 : vector<16xi32>
        %and3A_1194 = arith.constant 255 : i32
        %and3A_1195 = vector.broadcast %and3A_1194 : i32 to vector<16xi32>
        %and3A_1196 = arith.andi %shift_right_logical3A_1193, %and3A_1195 : vector<16xi32>
        %add3A_1197 = arith.addi %scan3A_372, %and3A_1196 : vector<16xi32>
        %shift_right_logical3A_1198 = arith.constant 24 : i32
        %shift_right_logical3A_1199 = vector.broadcast %shift_right_logical3A_1198 : i32 to vector<16xi32>
        %shift_right_logical3A_1200 = arith.shrui %add3A_1151, %shift_right_logical3A_1199 : vector<16xi32>
        %add3A_1201 = arith.addi %scan3A_373, %shift_right_logical3A_1200 : vector<16xi32>
        %and3A_1202 = arith.constant 255 : i32
        %and3A_1203 = vector.broadcast %and3A_1202 : i32 to vector<16xi32>
        %and3A_1204 = arith.andi %add3A_1161, %and3A_1203 : vector<16xi32>
        %add3A_1205 = arith.addi %scan3A_374, %and3A_1204 : vector<16xi32>
        %shift_right_logical3A_1206 = arith.constant 8 : i32
        %shift_right_logical3A_1207 = vector.broadcast %shift_right_logical3A_1206 : i32 to vector<16xi32>
        %shift_right_logical3A_1208 = arith.shrui %add3A_1161, %shift_right_logical3A_1207 : vector<16xi32>
        %and3A_1209 = arith.constant 255 : i32
        %and3A_1210 = vector.broadcast %and3A_1209 : i32 to vector<16xi32>
        %and3A_1211 = arith.andi %shift_right_logical3A_1208, %and3A_1210 : vector<16xi32>
        %add3A_1212 = arith.addi %scan3A_375, %and3A_1211 : vector<16xi32>
        %shift_right_logical3A_1213 = arith.constant 16 : i32
        %shift_right_logical3A_1214 = vector.broadcast %shift_right_logical3A_1213 : i32 to vector<16xi32>
        %shift_right_logical3A_1215 = arith.shrui %add3A_1161, %shift_right_logical3A_1214 : vector<16xi32>
        %and3A_1216 = arith.constant 255 : i32
        %and3A_1217 = vector.broadcast %and3A_1216 : i32 to vector<16xi32>
        %and3A_1218 = arith.andi %shift_right_logical3A_1215, %and3A_1217 : vector<16xi32>
        %add3A_1219 = arith.addi %scan3A_376, %and3A_1218 : vector<16xi32>
        %shift_right_logical3A_1220 = arith.constant 24 : i32
        %shift_right_logical3A_1221 = vector.broadcast %shift_right_logical3A_1220 : i32 to vector<16xi32>
        %shift_right_logical3A_1222 = arith.shrui %add3A_1161, %shift_right_logical3A_1221 : vector<16xi32>
        %add3A_1223 = arith.addi %scan3A_377, %shift_right_logical3A_1222 : vector<16xi32>
        %and3A_1224 = arith.constant 255 : i32
        %and3A_1225 = vector.broadcast %and3A_1224 : i32 to vector<16xi32>
        %and3A_1226 = arith.andi %add3A_1171, %and3A_1225 : vector<16xi32>
        %add3A_1227 = arith.addi %scan3A_378, %and3A_1226 : vector<16xi32>
        %shift_right_logical3A_1228 = arith.constant 8 : i32
        %shift_right_logical3A_1229 = vector.broadcast %shift_right_logical3A_1228 : i32 to vector<16xi32>
        %shift_right_logical3A_1230 = arith.shrui %add3A_1171, %shift_right_logical3A_1229 : vector<16xi32>
        %and3A_1231 = arith.constant 255 : i32
        %and3A_1232 = vector.broadcast %and3A_1231 : i32 to vector<16xi32>
        %and3A_1233 = arith.andi %shift_right_logical3A_1230, %and3A_1232 : vector<16xi32>
        %add3A_1234 = arith.addi %scan3A_379, %and3A_1233 : vector<16xi32>
        %shift_right_logical3A_1235 = arith.constant 16 : i32
        %shift_right_logical3A_1236 = vector.broadcast %shift_right_logical3A_1235 : i32 to vector<16xi32>
        %shift_right_logical3A_1237 = arith.shrui %add3A_1171, %shift_right_logical3A_1236 : vector<16xi32>
        %and3A_1238 = arith.constant 255 : i32
        %and3A_1239 = vector.broadcast %and3A_1238 : i32 to vector<16xi32>
        %and3A_1240 = arith.andi %shift_right_logical3A_1237, %and3A_1239 : vector<16xi32>
        %add3A_1241 = arith.addi %scan3A_380, %and3A_1240 : vector<16xi32>
        %shift_right_logical3A_1242 = arith.constant 24 : i32
        %shift_right_logical3A_1243 = vector.broadcast %shift_right_logical3A_1242 : i32 to vector<16xi32>
        %shift_right_logical3A_1244 = arith.shrui %add3A_1171, %shift_right_logical3A_1243 : vector<16xi32>
        %add3A_1245 = arith.addi %scan3A_381, %shift_right_logical3A_1244 : vector<16xi32>
        %and3A_1246 = arith.constant 255 : i32
        %and3A_1247 = vector.broadcast %and3A_1246 : i32 to vector<16xi32>
        %and3A_1248 = arith.andi %add3A_1181, %and3A_1247 : vector<16xi32>
        %add3A_1249 = arith.addi %scan3A_382, %and3A_1248 : vector<16xi32>
        %shift_right_logical3A_1250 = arith.constant 8 : i32
        %shift_right_logical3A_1251 = vector.broadcast %shift_right_logical3A_1250 : i32 to vector<16xi32>
        %shift_right_logical3A_1252 = arith.shrui %add3A_1181, %shift_right_logical3A_1251 : vector<16xi32>
        %and3A_1253 = arith.constant 255 : i32
        %and3A_1254 = vector.broadcast %and3A_1253 : i32 to vector<16xi32>
        %and3A_1255 = arith.andi %shift_right_logical3A_1252, %and3A_1254 : vector<16xi32>
        %add3A_1256 = arith.addi %scan3A_383, %and3A_1255 : vector<16xi32>
        %shift_right_logical3A_1257 = arith.constant 16 : i32
        %shift_right_logical3A_1258 = vector.broadcast %shift_right_logical3A_1257 : i32 to vector<16xi32>
        %shift_right_logical3A_1259 = arith.shrui %add3A_1181, %shift_right_logical3A_1258 : vector<16xi32>
        %and3A_1260 = arith.constant 255 : i32
        %and3A_1261 = vector.broadcast %and3A_1260 : i32 to vector<16xi32>
        %and3A_1262 = arith.andi %shift_right_logical3A_1259, %and3A_1261 : vector<16xi32>
        %add3A_1263 = arith.addi %scan3A_384, %and3A_1262 : vector<16xi32>
        %shift_right_logical3A_1264 = arith.constant 24 : i32
        %shift_right_logical3A_1265 = vector.broadcast %shift_right_logical3A_1264 : i32 to vector<16xi32>
        %shift_right_logical3A_1266 = arith.shrui %add3A_1181, %shift_right_logical3A_1265 : vector<16xi32>
        %add3A_1267 = arith.addi %scan3A_385, %shift_right_logical3A_1266 : vector<16xi32>
        scf.yield %add3A_1184, %add3A_1190, %add3A_1197, %add3A_1201, %add3A_1205, %add3A_1212, %add3A_1219, %add3A_1223, %add3A_1227, %add3A_1234, %add3A_1241, %add3A_1245, %add3A_1249, %add3A_1256, %add3A_1263, %add3A_1267 : vector<16xi32>, vector<16xi32>, vector<16xi32>, vector<16xi32>, vector<16xi32>, vector<16xi32>, vector<16xi32>, vector<16xi32>, vector<16xi32>, vector<16xi32>, vector<16xi32>, vector<16xi32>, vector<16xi32>, vector<16xi32>, vector<16xi32>, vector<16xi32>
      }
      %scan3A_21 = arith.constant 64 : i32
      %sub3A = arith.constant 1023 : i32
      %sub3A_22 = vector.broadcast %sub3A : i32 to vector<16xi32>
      %sub3A_23 = arith.subi %sub3A_22, %scan3A_20#0 : vector<16xi32>
      %sub3A_24 = arith.subi %sub3A_23, %scan3A_20#0 : vector<16xi32>
      %convert_element_type3A = arith.sitofp %sub3A_24 : vector<16xi32> to vector<16xf32>
      %min3A = arith.constant 1.000000e+00 : f32
      %min3A_25 = vector.broadcast %min3A : f32 to vector<16xf32>
      %min3A_26 = arith.minimumf %convert_element_type3A, %min3A_25 : vector<16xf32>
      %max3A = arith.constant -1.000000e+00 : f32
      %max3A_27 = vector.broadcast %max3A : f32 to vector<16xf32>
      %max3A_28 = arith.maximumf %min3A_26, %max3A_27 : vector<16xf32>
      %mul3A_29 = arith.constant 4 : i32
      %mul3A_30 = arith.muli %scan3A_6, %mul3A_29 : i32
      %add3A_31 = arith.constant 0 : i32
      %add3A_32 = arith.addi %mul3A_30, %add3A_31 : i32
      %swap3A = arith.constant 0 : i32
      %swap3A_33 = arith.index_cast %add3A_32 : i32 to index
      %swap3A_34 = arith.index_cast %swap3A : i32 to index
      %swap3A_35 = arith.constant 0 : index
      %swap3A_36 = tpu.vector_load %arg10[%swap3A_33, %swap3A_34, %swap3A_35] {strides = array<i32>} : memref<64x4x16xf32, #tpu.memory_space<vmem>>, vector<1x1x16xf32>,
      %swap3A_37 = vector.shape_cast %swap3A_36 : vector<1x1x16xf32> to vector<16xf32>
      %swap3A_38 = vector.shape_cast %max3A_28 : vector<16xf32> to vector<1x1x16xf32>
      tpu.vector_store %arg10[%swap3A_33, %swap3A_34, %swap3A_35], %swap3A_38 {strides = array<i32>} : memref<64x4x16xf32, #tpu.memory_space<vmem>>, vector<1x1x16xf32>,
      %sub3A_39 = arith.constant 1023 : i32
      %sub3A_40 = vector.broadcast %sub3A_39 : i32 to vector<16xi32>
      %sub3A_41 = arith.subi %sub3A_40, %scan3A_20#1 : vector<16xi32>
      %sub3A_42 = arith.subi %sub3A_41, %scan3A_20#1 : vector<16xi32>
      %convert_element_type3A_43 = arith.sitofp %sub3A_42 : vector<16xi32> to vector<16xf32>
      %min3A_44 = arith.constant 1.000000e+00 : f32
      %min3A_45 = vector.broadcast %min3A_44 : f32 to vector<16xf32>
      %min3A_46 = arith.minimumf %convert_element_type3A_43, %min3A_45 : vector<16xf32>
      %max3A_47 = arith.constant -1.000000e+00 : f32
      %max3A_48 = vector.broadcast %max3A_47 : f32 to vector<16xf32>
      %max3A_49 = arith.maximumf %min3A_46, %max3A_48 : vector<16xf32>
      %mul3A_50 = arith.constant 4 : i32
      %mul3A_51 = arith.muli %scan3A_6, %mul3A_50 : i32
      %add3A_52 = arith.constant 0 : i32
      %add3A_53 = arith.addi %mul3A_51, %add3A_52 : i32
      %swap3A_54 = arith.constant 1 : i32
      %swap3A_55 = arith.index_cast %add3A_53 : i32 to index
      %swap3A_56 = arith.index_cast %swap3A_54 : i32 to index
      %swap3A_57 = arith.constant 0 : index
      %swap3A_58 = tpu.vector_load %arg10[%swap3A_55, %swap3A_56, %swap3A_57] {strides = array<i32>} : memref<64x4x16xf32, #tpu.memory_space<vmem>>, vector<1x1x16xf32>,
      %swap3A_59 = vector.shape_cast %swap3A_58 : vector<1x1x16xf32> to vector<16xf32>
      %swap3A_60 = vector.shape_cast %max3A_49 : vector<16xf32> to vector<1x1x16xf32>
      tpu.vector_store %arg10[%swap3A_55, %swap3A_56, %swap3A_57], %swap3A_60 {strides = array<i32>} : memref<64x4x16xf32, #tpu.memory_space<vmem>>, vector<1x1x16xf32>,
      %sub3A_61 = arith.constant 1023 : i32
      %sub3A_62 = vector.broadcast %sub3A_61 : i32 to vector<16xi32>
      %sub3A_63 = arith.subi %sub3A_62, %scan3A_20#2 : vector<16xi32>
      %sub3A_64 = arith.subi %sub3A_63, %scan3A_20#2 : vector<16xi32>
      %convert_element_type3A_65 = arith.sitofp %sub3A_64 : vector<16xi32> to vector<16xf32>
      %min3A_66 = arith.constant 1.000000e+00 : f32
      %min3A_67 = vector.broadcast %min3A_66 : f32 to vector<16xf32>
      %min3A_68 = arith.minimumf %convert_element_type3A_65, %min3A_67 : vector<16xf32>
      %max3A_69 = arith.constant -1.000000e+00 : f32
      %max3A_70 = vector.broadcast %max3A_69 : f32 to vector<16xf32>
      %max3A_71 = arith.maximumf %min3A_68, %max3A_70 : vector<16xf32>
      %mul3A_72 = arith.constant 4 : i32
      %mul3A_73 = arith.muli %scan3A_6, %mul3A_72 : i32
      %add3A_74 = arith.constant 0 : i32
      %add3A_75 = arith.addi %mul3A_73, %add3A_74 : i32
      %swap3A_76 = arith.constant 2 : i32
      %swap3A_77 = arith.index_cast %add3A_75 : i32 to index
      %swap3A_78 = arith.index_cast %swap3A_76 : i32 to index
      %swap3A_79 = arith.constant 0 : index
      %swap3A_80 = tpu.vector_load %arg10[%swap3A_77, %swap3A_78, %swap3A_79] {strides = array<i32>} : memref<64x4x16xf32, #tpu.memory_space<vmem>>, vector<1x1x16xf32>,
      %swap3A_81 = vector.shape_cast %swap3A_80 : vector<1x1x16xf32> to vector<16xf32>
      %swap3A_82 = vector.shape_cast %max3A_71 : vector<16xf32> to vector<1x1x16xf32>
      tpu.vector_store %arg10[%swap3A_77, %swap3A_78, %swap3A_79], %swap3A_82 {strides = array<i32>} : memref<64x4x16xf32, #tpu.memory_space<vmem>>, vector<1x1x16xf32>,
      %sub3A_83 = arith.constant 1023 : i32
      %sub3A_84 = vector.broadcast %sub3A_83 : i32 to vector<16xi32>
      %sub3A_85 = arith.subi %sub3A_84, %scan3A_20#3 : vector<16xi32>
      %sub3A_86 = arith.subi %sub3A_85, %scan3A_20#3 : vector<16xi32>
      %convert_element_type3A_87 = arith.sitofp %sub3A_86 : vector<16xi32> to vector<16xf32>
      %min3A_88 = arith.constant 1.000000e+00 : f32
      %min3A_89 = vector.broadcast %min3A_88 : f32 to vector<16xf32>
      %min3A_90 = arith.minimumf %convert_element_type3A_87, %min3A_89 : vector<16xf32>
      %max3A_91 = arith.constant -1.000000e+00 : f32
      %max3A_92 = vector.broadcast %max3A_91 : f32 to vector<16xf32>
      %max3A_93 = arith.maximumf %min3A_90, %max3A_92 : vector<16xf32>
      %mul3A_94 = arith.constant 4 : i32
      %mul3A_95 = arith.muli %scan3A_6, %mul3A_94 : i32
      %add3A_96 = arith.constant 0 : i32
      %add3A_97 = arith.addi %mul3A_95, %add3A_96 : i32
      %swap3A_98 = arith.constant 3 : i32
      %swap3A_99 = arith.index_cast %add3A_97 : i32 to index
      %swap3A_100 = arith.index_cast %swap3A_98 : i32 to index
      %swap3A_101 = arith.constant 0 : index
      %swap3A_102 = tpu.vector_load %arg10[%swap3A_99, %swap3A_100, %swap3A_101] {strides = array<i32>} : memref<64x4x16xf32, #tpu.memory_space<vmem>>, vector<1x1x16xf32>,
      %swap3A_103 = vector.shape_cast %swap3A_102 : vector<1x1x16xf32> to vector<16xf32>
      %swap3A_104 = vector.shape_cast %max3A_93 : vector<16xf32> to vector<1x1x16xf32>
      tpu.vector_store %arg10[%swap3A_99, %swap3A_100, %swap3A_101], %swap3A_104 {strides = array<i32>} : memref<64x4x16xf32, #tpu.memory_space<vmem>>, vector<1x1x16xf32>,
      %sub3A_105 = arith.constant 1023 : i32
      %sub3A_106 = vector.broadcast %sub3A_105 : i32 to vector<16xi32>
      %sub3A_107 = arith.subi %sub3A_106, %scan3A_20#4 : vector<16xi32>
      %sub3A_108 = arith.subi %sub3A_107, %scan3A_20#4 : vector<16xi32>
      %convert_element_type3A_109 = arith.sitofp %sub3A_108 : vector<16xi32> to vector<16xf32>
      %min3A_110 = arith.constant 1.000000e+00 : f32
      %min3A_111 = vector.broadcast %min3A_110 : f32 to vector<16xf32>
      %min3A_112 = arith.minimumf %convert_element_type3A_109, %min3A_111 : vector<16xf32>
      %max3A_113 = arith.constant -1.000000e+00 : f32
      %max3A_114 = vector.broadcast %max3A_113 : f32 to vector<16xf32>
      %max3A_115 = arith.maximumf %min3A_112, %max3A_114 : vector<16xf32>
      %mul3A_116 = arith.constant 4 : i32
      %mul3A_117 = arith.muli %scan3A_6, %mul3A_116 : i32
      %add3A_118 = arith.constant 1 : i32
      %add3A_119 = arith.addi %mul3A_117, %add3A_118 : i32
      %swap3A_120 = arith.constant 0 : i32
      %swap3A_121 = arith.index_cast %add3A_119 : i32 to index
      %swap3A_122 = arith.index_cast %swap3A_120 : i32 to index
      %swap3A_123 = arith.constant 0 : index
      %swap3A_124 = tpu.vector_load %arg10[%swap3A_121, %swap3A_122, %swap3A_123] {strides = array<i32>} : memref<64x4x16xf32, #tpu.memory_space<vmem>>, vector<1x1x16xf32>,
      %swap3A_125 = vector.shape_cast %swap3A_124 : vector<1x1x16xf32> to vector<16xf32>
      %swap3A_126 = vector.shape_cast %max3A_115 : vector<16xf32> to vector<1x1x16xf32>
      tpu.vector_store %arg10[%swap3A_121, %swap3A_122, %swap3A_123], %swap3A_126 {strides = array<i32>} : memref<64x4x16xf32, #tpu.memory_space<vmem>>, vector<1x1x16xf32>,
      %sub3A_127 = arith.constant 1023 : i32
      %sub3A_128 = vector.broadcast %sub3A_127 : i32 to vector<16xi32>
      %sub3A_129 = arith.subi %sub3A_128, %scan3A_20#5 : vector<16xi32>
      %sub3A_130 = arith.subi %sub3A_129, %scan3A_20#5 : vector<16xi32>
      %convert_element_type3A_131 = arith.sitofp %sub3A_130 : vector<16xi32> to vector<16xf32>
      %min3A_132 = arith.constant 1.000000e+00 : f32
      %min3A_133 = vector.broadcast %min3A_132 : f32 to vector<16xf32>
      %min3A_134 = arith.minimumf %convert_element_type3A_131, %min3A_133 : vector<16xf32>
      %max3A_135 = arith.constant -1.000000e+00 : f32
      %max3A_136 = vector.broadcast %max3A_135 : f32 to vector<16xf32>
      %max3A_137 = arith.maximumf %min3A_134, %max3A_136 : vector<16xf32>
      %mul3A_138 = arith.constant 4 : i32
      %mul3A_139 = arith.muli %scan3A_6, %mul3A_138 : i32
      %add3A_140 = arith.constant 1 : i32
      %add3A_141 = arith.addi %mul3A_139, %add3A_140 : i32
      %swap3A_142 = arith.constant 1 : i32
      %swap3A_143 = arith.index_cast %add3A_141 : i32 to index
      %swap3A_144 = arith.index_cast %swap3A_142 : i32 to index
      %swap3A_145 = arith.constant 0 : index
      %swap3A_146 = tpu.vector_load %arg10[%swap3A_143, %swap3A_144, %swap3A_145] {strides = array<i32>} : memref<64x4x16xf32, #tpu.memory_space<vmem>>, vector<1x1x16xf32>,
      %swap3A_147 = vector.shape_cast %swap3A_146 : vector<1x1x16xf32> to vector<16xf32>
      %swap3A_148 = vector.shape_cast %max3A_137 : vector<16xf32> to vector<1x1x16xf32>
      tpu.vector_store %arg10[%swap3A_143, %swap3A_144, %swap3A_145], %swap3A_148 {strides = array<i32>} : memref<64x4x16xf32, #tpu.memory_space<vmem>>, vector<1x1x16xf32>,
      %sub3A_149 = arith.constant 1023 : i32
      %sub3A_150 = vector.broadcast %sub3A_149 : i32 to vector<16xi32>
      %sub3A_151 = arith.subi %sub3A_150, %scan3A_20#6 : vector<16xi32>
      %sub3A_152 = arith.subi %sub3A_151, %scan3A_20#6 : vector<16xi32>
      %convert_element_type3A_153 = arith.sitofp %sub3A_152 : vector<16xi32> to vector<16xf32>
      %min3A_154 = arith.constant 1.000000e+00 : f32
      %min3A_155 = vector.broadcast %min3A_154 : f32 to vector<16xf32>
      %min3A_156 = arith.minimumf %convert_element_type3A_153, %min3A_155 : vector<16xf32>
      %max3A_157 = arith.constant -1.000000e+00 : f32
      %max3A_158 = vector.broadcast %max3A_157 : f32 to vector<16xf32>
      %max3A_159 = arith.maximumf %min3A_156, %max3A_158 : vector<16xf32>
      %mul3A_160 = arith.constant 4 : i32
      %mul3A_161 = arith.muli %scan3A_6, %mul3A_160 : i32
      %add3A_162 = arith.constant 1 : i32
      %add3A_163 = arith.addi %mul3A_161, %add3A_162 : i32
      %swap3A_164 = arith.constant 2 : i32
      %swap3A_165 = arith.index_cast %add3A_163 : i32 to index
      %swap3A_166 = arith.index_cast %swap3A_164 : i32 to index
      %swap3A_167 = arith.constant 0 : index
      %swap3A_168 = tpu.vector_load %arg10[%swap3A_165, %swap3A_166, %swap3A_167] {strides = array<i32>} : memref<64x4x16xf32, #tpu.memory_space<vmem>>, vector<1x1x16xf32>,
      %swap3A_169 = vector.shape_cast %swap3A_168 : vector<1x1x16xf32> to vector<16xf32>
      %swap3A_170 = vector.shape_cast %max3A_159 : vector<16xf32> to vector<1x1x16xf32>
      tpu.vector_store %arg10[%swap3A_165, %swap3A_166, %swap3A_167], %swap3A_170 {strides = array<i32>} : memref<64x4x16xf32, #tpu.memory_space<vmem>>, vector<1x1x16xf32>,
      %sub3A_171 = arith.constant 1023 : i32
      %sub3A_172 = vector.broadcast %sub3A_171 : i32 to vector<16xi32>
      %sub3A_173 = arith.subi %sub3A_172, %scan3A_20#7 : vector<16xi32>
      %sub3A_174 = arith.subi %sub3A_173, %scan3A_20#7 : vector<16xi32>
      %convert_element_type3A_175 = arith.sitofp %sub3A_174 : vector<16xi32> to vector<16xf32>
      %min3A_176 = arith.constant 1.000000e+00 : f32
      %min3A_177 = vector.broadcast %min3A_176 : f32 to vector<16xf32>
      %min3A_178 = arith.minimumf %convert_element_type3A_175, %min3A_177 : vector<16xf32>
      %max3A_179 = arith.constant -1.000000e+00 : f32
      %max3A_180 = vector.broadcast %max3A_179 : f32 to vector<16xf32>
      %max3A_181 = arith.maximumf %min3A_178, %max3A_180 : vector<16xf32>
      %mul3A_182 = arith.constant 4 : i32
      %mul3A_183 = arith.muli %scan3A_6, %mul3A_182 : i32
      %add3A_184 = arith.constant 1 : i32
      %add3A_185 = arith.addi %mul3A_183, %add3A_184 : i32
      %swap3A_186 = arith.constant 3 : i32
      %swap3A_187 = arith.index_cast %add3A_185 : i32 to index
      %swap3A_188 = arith.index_cast %swap3A_186 : i32 to index
      %swap3A_189 = arith.constant 0 : index
      %swap3A_190 = tpu.vector_load %arg10[%swap3A_187, %swap3A_188, %swap3A_189] {strides = array<i32>} : memref<64x4x16xf32, #tpu.memory_space<vmem>>, vector<1x1x16xf32>,
      %swap3A_191 = vector.shape_cast %swap3A_190 : vector<1x1x16xf32> to vector<16xf32>
      %swap3A_192 = vector.shape_cast %max3A_181 : vector<16xf32> to vector<1x1x16xf32>
      tpu.vector_store %arg10[%swap3A_187, %swap3A_188, %swap3A_189], %swap3A_192 {strides = array<i32>} : memref<64x4x16xf32, #tpu.memory_space<vmem>>, vector<1x1x16xf32>,
      %sub3A_193 = arith.constant 1023 : i32
      %sub3A_194 = vector.broadcast %sub3A_193 : i32 to vector<16xi32>
      %sub3A_195 = arith.subi %sub3A_194, %scan3A_20#8 : vector<16xi32>
      %sub3A_196 = arith.subi %sub3A_195, %scan3A_20#8 : vector<16xi32>
      %convert_element_type3A_197 = arith.sitofp %sub3A_196 : vector<16xi32> to vector<16xf32>
      %min3A_198 = arith.constant 1.000000e+00 : f32
      %min3A_199 = vector.broadcast %min3A_198 : f32 to vector<16xf32>
      %min3A_200 = arith.minimumf %convert_element_type3A_197, %min3A_199 : vector<16xf32>
      %max3A_201 = arith.constant -1.000000e+00 : f32
      %max3A_202 = vector.broadcast %max3A_201 : f32 to vector<16xf32>
      %max3A_203 = arith.maximumf %min3A_200, %max3A_202 : vector<16xf32>
      %mul3A_204 = arith.constant 4 : i32
      %mul3A_205 = arith.muli %scan3A_6, %mul3A_204 : i32
      %add3A_206 = arith.constant 2 : i32
      %add3A_207 = arith.addi %mul3A_205, %add3A_206 : i32
      %swap3A_208 = arith.constant 0 : i32
      %swap3A_209 = arith.index_cast %add3A_207 : i32 to index
      %swap3A_210 = arith.index_cast %swap3A_208 : i32 to index
      %swap3A_211 = arith.constant 0 : index
      %swap3A_212 = tpu.vector_load %arg10[%swap3A_209, %swap3A_210, %swap3A_211] {strides = array<i32>} : memref<64x4x16xf32, #tpu.memory_space<vmem>>, vector<1x1x16xf32>,
      %swap3A_213 = vector.shape_cast %swap3A_212 : vector<1x1x16xf32> to vector<16xf32>
      %swap3A_214 = vector.shape_cast %max3A_203 : vector<16xf32> to vector<1x1x16xf32>
      tpu.vector_store %arg10[%swap3A_209, %swap3A_210, %swap3A_211], %swap3A_214 {strides = array<i32>} : memref<64x4x16xf32, #tpu.memory_space<vmem>>, vector<1x1x16xf32>,
      %sub3A_215 = arith.constant 1023 : i32
      %sub3A_216 = vector.broadcast %sub3A_215 : i32 to vector<16xi32>
      %sub3A_217 = arith.subi %sub3A_216, %scan3A_20#9 : vector<16xi32>
      %sub3A_218 = arith.subi %sub3A_217, %scan3A_20#9 : vector<16xi32>
      %convert_element_type3A_219 = arith.sitofp %sub3A_218 : vector<16xi32> to vector<16xf32>
      %min3A_220 = arith.constant 1.000000e+00 : f32
      %min3A_221 = vector.broadcast %min3A_220 : f32 to vector<16xf32>
      %min3A_222 = arith.minimumf %convert_element_type3A_219, %min3A_221 : vector<16xf32>
      %max3A_223 = arith.constant -1.000000e+00 : f32
      %max3A_224 = vector.broadcast %max3A_223 : f32 to vector<16xf32>
      %max3A_225 = arith.maximumf %min3A_222, %max3A_224 : vector<16xf32>
      %mul3A_226 = arith.constant 4 : i32
      %mul3A_227 = arith.muli %scan3A_6, %mul3A_226 : i32
      %add3A_228 = arith.constant 2 : i32
      %add3A_229 = arith.addi %mul3A_227, %add3A_228 : i32
      %swap3A_230 = arith.constant 1 : i32
      %swap3A_231 = arith.index_cast %add3A_229 : i32 to index
      %swap3A_232 = arith.index_cast %swap3A_230 : i32 to index
      %swap3A_233 = arith.constant 0 : index
      %swap3A_234 = tpu.vector_load %arg10[%swap3A_231, %swap3A_232, %swap3A_233] {strides = array<i32>} : memref<64x4x16xf32, #tpu.memory_space<vmem>>, vector<1x1x16xf32>,
      %swap3A_235 = vector.shape_cast %swap3A_234 : vector<1x1x16xf32> to vector<16xf32>
      %swap3A_236 = vector.shape_cast %max3A_225 : vector<16xf32> to vector<1x1x16xf32>
      tpu.vector_store %arg10[%swap3A_231, %swap3A_232, %swap3A_233], %swap3A_236 {strides = array<i32>} : memref<64x4x16xf32, #tpu.memory_space<vmem>>, vector<1x1x16xf32>,
      %sub3A_237 = arith.constant 1023 : i32
      %sub3A_238 = vector.broadcast %sub3A_237 : i32 to vector<16xi32>
      %sub3A_239 = arith.subi %sub3A_238, %scan3A_20#10 : vector<16xi32>
      %sub3A_240 = arith.subi %sub3A_239, %scan3A_20#10 : vector<16xi32>
      %convert_element_type3A_241 = arith.sitofp %sub3A_240 : vector<16xi32> to vector<16xf32>
      %min3A_242 = arith.constant 1.000000e+00 : f32
      %min3A_243 = vector.broadcast %min3A_242 : f32 to vector<16xf32>
      %min3A_244 = arith.minimumf %convert_element_type3A_241, %min3A_243 : vector<16xf32>
      %max3A_245 = arith.constant -1.000000e+00 : f32
      %max3A_246 = vector.broadcast %max3A_245 : f32 to vector<16xf32>
      %max3A_247 = arith.maximumf %min3A_244, %max3A_246 : vector<16xf32>
      %mul3A_248 = arith.constant 4 : i32
      %mul3A_249 = arith.muli %scan3A_6, %mul3A_248 : i32
      %add3A_250 = arith.constant 2 : i32
      %add3A_251 = arith.addi %mul3A_249, %add3A_250 : i32
      %swap3A_252 = arith.constant 2 : i32
      %swap3A_253 = arith.index_cast %add3A_251 : i32 to index
      %swap3A_254 = arith.index_cast %swap3A_252 : i32 to index
      %swap3A_255 = arith.constant 0 : index
      %swap3A_256 = tpu.vector_load %arg10[%swap3A_253, %swap3A_254, %swap3A_255] {strides = array<i32>} : memref<64x4x16xf32, #tpu.memory_space<vmem>>, vector<1x1x16xf32>,
      %swap3A_257 = vector.shape_cast %swap3A_256 : vector<1x1x16xf32> to vector<16xf32>
      %swap3A_258 = vector.shape_cast %max3A_247 : vector<16xf32> to vector<1x1x16xf32>
      tpu.vector_store %arg10[%swap3A_253, %swap3A_254, %swap3A_255], %swap3A_258 {strides = array<i32>} : memref<64x4x16xf32, #tpu.memory_space<vmem>>, vector<1x1x16xf32>,
      %sub3A_259 = arith.constant 1023 : i32
      %sub3A_260 = vector.broadcast %sub3A_259 : i32 to vector<16xi32>
      %sub3A_261 = arith.subi %sub3A_260, %scan3A_20#11 : vector<16xi32>
      %sub3A_262 = arith.subi %sub3A_261, %scan3A_20#11 : vector<16xi32>
      %convert_element_type3A_263 = arith.sitofp %sub3A_262 : vector<16xi32> to vector<16xf32>
      %min3A_264 = arith.constant 1.000000e+00 : f32
      %min3A_265 = vector.broadcast %min3A_264 : f32 to vector<16xf32>
      %min3A_266 = arith.minimumf %convert_element_type3A_263, %min3A_265 : vector<16xf32>
      %max3A_267 = arith.constant -1.000000e+00 : f32
      %max3A_268 = vector.broadcast %max3A_267 : f32 to vector<16xf32>
      %max3A_269 = arith.maximumf %min3A_266, %max3A_268 : vector<16xf32>
      %mul3A_270 = arith.constant 4 : i32
      %mul3A_271 = arith.muli %scan3A_6, %mul3A_270 : i32
      %add3A_272 = arith.constant 2 : i32
      %add3A_273 = arith.addi %mul3A_271, %add3A_272 : i32
      %swap3A_274 = arith.constant 3 : i32
      %swap3A_275 = arith.index_cast %add3A_273 : i32 to index
      %swap3A_276 = arith.index_cast %swap3A_274 : i32 to index
      %swap3A_277 = arith.constant 0 : index
      %swap3A_278 = tpu.vector_load %arg10[%swap3A_275, %swap3A_276, %swap3A_277] {strides = array<i32>} : memref<64x4x16xf32, #tpu.memory_space<vmem>>, vector<1x1x16xf32>,
      %swap3A_279 = vector.shape_cast %swap3A_278 : vector<1x1x16xf32> to vector<16xf32>
      %swap3A_280 = vector.shape_cast %max3A_269 : vector<16xf32> to vector<1x1x16xf32>
      tpu.vector_store %arg10[%swap3A_275, %swap3A_276, %swap3A_277], %swap3A_280 {strides = array<i32>} : memref<64x4x16xf32, #tpu.memory_space<vmem>>, vector<1x1x16xf32>,
      %sub3A_281 = arith.constant 1023 : i32
      %sub3A_282 = vector.broadcast %sub3A_281 : i32 to vector<16xi32>
      %sub3A_283 = arith.subi %sub3A_282, %scan3A_20#12 : vector<16xi32>
      %sub3A_284 = arith.subi %sub3A_283, %scan3A_20#12 : vector<16xi32>
      %convert_element_type3A_285 = arith.sitofp %sub3A_284 : vector<16xi32> to vector<16xf32>
      %min3A_286 = arith.constant 1.000000e+00 : f32
      %min3A_287 = vector.broadcast %min3A_286 : f32 to vector<16xf32>
      %min3A_288 = arith.minimumf %convert_element_type3A_285, %min3A_287 : vector<16xf32>
      %max3A_289 = arith.constant -1.000000e+00 : f32
      %max3A_290 = vector.broadcast %max3A_289 : f32 to vector<16xf32>
      %max3A_291 = arith.maximumf %min3A_288, %max3A_290 : vector<16xf32>
      %mul3A_292 = arith.constant 4 : i32
      %mul3A_293 = arith.muli %scan3A_6, %mul3A_292 : i32
      %add3A_294 = arith.constant 3 : i32
      %add3A_295 = arith.addi %mul3A_293, %add3A_294 : i32
      %swap3A_296 = arith.constant 0 : i32
      %swap3A_297 = arith.index_cast %add3A_295 : i32 to index
      %swap3A_298 = arith.index_cast %swap3A_296 : i32 to index
      %swap3A_299 = arith.constant 0 : index
      %swap3A_300 = tpu.vector_load %arg10[%swap3A_297, %swap3A_298, %swap3A_299] {strides = array<i32>} : memref<64x4x16xf32, #tpu.memory_space<vmem>>, vector<1x1x16xf32>,
      %swap3A_301 = vector.shape_cast %swap3A_300 : vector<1x1x16xf32> to vector<16xf32>
      %swap3A_302 = vector.shape_cast %max3A_291 : vector<16xf32> to vector<1x1x16xf32>
      tpu.vector_store %arg10[%swap3A_297, %swap3A_298, %swap3A_299], %swap3A_302 {strides = array<i32>} : memref<64x4x16xf32, #tpu.memory_space<vmem>>, vector<1x1x16xf32>,
      %sub3A_303 = arith.constant 1023 : i32
      %sub3A_304 = vector.broadcast %sub3A_303 : i32 to vector<16xi32>
      %sub3A_305 = arith.subi %sub3A_304, %scan3A_20#13 : vector<16xi32>
      %sub3A_306 = arith.subi %sub3A_305, %scan3A_20#13 : vector<16xi32>
      %convert_element_type3A_307 = arith.sitofp %sub3A_306 : vector<16xi32> to vector<16xf32>
      %min3A_308 = arith.constant 1.000000e+00 : f32
      %min3A_309 = vector.broadcast %min3A_308 : f32 to vector<16xf32>
      %min3A_310 = arith.minimumf %convert_element_type3A_307, %min3A_309 : vector<16xf32>
      %max3A_311 = arith.constant -1.000000e+00 : f32
      %max3A_312 = vector.broadcast %max3A_311 : f32 to vector<16xf32>
      %max3A_313 = arith.maximumf %min3A_310, %max3A_312 : vector<16xf32>
      %mul3A_314 = arith.constant 4 : i32
      %mul3A_315 = arith.muli %scan3A_6, %mul3A_314 : i32
      %add3A_316 = arith.constant 3 : i32
      %add3A_317 = arith.addi %mul3A_315, %add3A_316 : i32
      %swap3A_318 = arith.constant 1 : i32
      %swap3A_319 = arith.index_cast %add3A_317 : i32 to index
      %swap3A_320 = arith.index_cast %swap3A_318 : i32 to index
      %swap3A_321 = arith.constant 0 : index
      %swap3A_322 = tpu.vector_load %arg10[%swap3A_319, %swap3A_320, %swap3A_321] {strides = array<i32>} : memref<64x4x16xf32, #tpu.memory_space<vmem>>, vector<1x1x16xf32>,
      %swap3A_323 = vector.shape_cast %swap3A_322 : vector<1x1x16xf32> to vector<16xf32>
      %swap3A_324 = vector.shape_cast %max3A_313 : vector<16xf32> to vector<1x1x16xf32>
      tpu.vector_store %arg10[%swap3A_319, %swap3A_320, %swap3A_321], %swap3A_324 {strides = array<i32>} : memref<64x4x16xf32, #tpu.memory_space<vmem>>, vector<1x1x16xf32>,
      %sub3A_325 = arith.constant 1023 : i32
      %sub3A_326 = vector.broadcast %sub3A_325 : i32 to vector<16xi32>
      %sub3A_327 = arith.subi %sub3A_326, %scan3A_20#14 : vector<16xi32>
      %sub3A_328 = arith.subi %sub3A_327, %scan3A_20#14 : vector<16xi32>
      %convert_element_type3A_329 = arith.sitofp %sub3A_328 : vector<16xi32> to vector<16xf32>
      %min3A_330 = arith.constant 1.000000e+00 : f32
      %min3A_331 = vector.broadcast %min3A_330 : f32 to vector<16xf32>
      %min3A_332 = arith.minimumf %convert_element_type3A_329, %min3A_331 : vector<16xf32>
      %max3A_333 = arith.constant -1.000000e+00 : f32
      %max3A_334 = vector.broadcast %max3A_333 : f32 to vector<16xf32>
      %max3A_335 = arith.maximumf %min3A_332, %max3A_334 : vector<16xf32>
      %mul3A_336 = arith.constant 4 : i32
      %mul3A_337 = arith.muli %scan3A_6, %mul3A_336 : i32
      %add3A_338 = arith.constant 3 : i32
      %add3A_339 = arith.addi %mul3A_337, %add3A_338 : i32
      %swap3A_340 = arith.constant 2 : i32
      %swap3A_341 = arith.index_cast %add3A_339 : i32 to index
      %swap3A_342 = arith.index_cast %swap3A_340 : i32 to index
      %swap3A_343 = arith.constant 0 : index
      %swap3A_344 = tpu.vector_load %arg10[%swap3A_341, %swap3A_342, %swap3A_343] {strides = array<i32>} : memref<64x4x16xf32, #tpu.memory_space<vmem>>, vector<1x1x16xf32>,
      %swap3A_345 = vector.shape_cast %swap3A_344 : vector<1x1x16xf32> to vector<16xf32>
      %swap3A_346 = vector.shape_cast %max3A_335 : vector<16xf32> to vector<1x1x16xf32>
      tpu.vector_store %arg10[%swap3A_341, %swap3A_342, %swap3A_343], %swap3A_346 {strides = array<i32>} : memref<64x4x16xf32, #tpu.memory_space<vmem>>, vector<1x1x16xf32>,
      %sub3A_347 = arith.constant 1023 : i32
      %sub3A_348 = vector.broadcast %sub3A_347 : i32 to vector<16xi32>
      %sub3A_349 = arith.subi %sub3A_348, %scan3A_20#15 : vector<16xi32>
      %sub3A_350 = arith.subi %sub3A_349, %scan3A_20#15 : vector<16xi32>
      %convert_element_type3A_351 = arith.sitofp %sub3A_350 : vector<16xi32> to vector<16xf32>
      %min3A_352 = arith.constant 1.000000e+00 : f32
      %min3A_353 = vector.broadcast %min3A_352 : f32 to vector<16xf32>
      %min3A_354 = arith.minimumf %convert_element_type3A_351, %min3A_353 : vector<16xf32>
      %max3A_355 = arith.constant -1.000000e+00 : f32
      %max3A_356 = vector.broadcast %max3A_355 : f32 to vector<16xf32>
      %max3A_357 = arith.maximumf %min3A_354, %max3A_356 : vector<16xf32>
      %mul3A_358 = arith.constant 4 : i32
      %mul3A_359 = arith.muli %scan3A_6, %mul3A_358 : i32
      %add3A_360 = arith.constant 3 : i32
      %add3A_361 = arith.addi %mul3A_359, %add3A_360 : i32
      %swap3A_362 = arith.constant 3 : i32
      %swap3A_363 = arith.index_cast %add3A_361 : i32 to index
      %swap3A_364 = arith.index_cast %swap3A_362 : i32 to index
      %swap3A_365 = arith.constant 0 : index
      %swap3A_366 = tpu.vector_load %arg10[%swap3A_363, %swap3A_364, %swap3A_365] {strides = array<i32>} : memref<64x4x16xf32, #tpu.memory_space<vmem>>, vector<1x1x16xf32>,
      %swap3A_367 = vector.shape_cast %swap3A_366 : vector<1x1x16xf32> to vector<16xf32>
      %swap3A_368 = vector.shape_cast %max3A_357 : vector<16xf32> to vector<1x1x16xf32>
      tpu.vector_store %arg10[%swap3A_363, %swap3A_364, %swap3A_365], %swap3A_368 {strides = array<i32>} : memref<64x4x16xf32, #tpu.memory_space<vmem>>, vector<1x1x16xf32>,
    }
    %scan3A_5 = arith.constant 16 : i32
    "tpu.region"() ({
      %run_scoped3A = tpu.sem_alloc : memref<!tpu.dma_semaphore, #tpu.memory_space<semaphore_mem>>
      %dma_start3A = arith.constant 0 : i32
      %dma_start3A_6 = arith.constant 0 : i32
      %dma_start3A_7 = arith.constant 0 : i32
      %dma_start3A_8 = tpu.memref_slice %arg5[%add3A, %dma_start3A, %dma_start3A_6, %dma_start3A_7] : memref<32x64x4x16xf32, #tpu.memory_space<hbm>> -> memref<1x64x4x16xf32, #tpu.memory_space<hbm>>
      %dma_start3A_9 = tpu.memref_squeeze %dma_start3A_8 : memref<1x64x4x16xf32, #tpu.memory_space<hbm>> -> memref<64x4x16xf32, #tpu.memory_space<hbm>>
      %dma_start3A_10 = arith.constant 0 : i32
      %dma_start3A_11 = arith.constant 0 : i32
      %dma_start3A_12 = arith.constant 0 : i32
      %dma_start3A_13 = tpu.memref_slice %arg5[%add3A, %dma_start3A_10, %dma_start3A_11, %dma_start3A_12] : memref<32x64x4x16xf32, #tpu.memory_space<hbm>> -> memref<1x64x4x16xf32, #tpu.memory_space<hbm>>
      %dma_start3A_14 = tpu.memref_squeeze %dma_start3A_13 : memref<1x64x4x16xf32, #tpu.memory_space<hbm>> -> memref<64x4x16xf32, #tpu.memory_space<hbm>>
      tpu.enqueue_dma source(%arg10 : memref<64x4x16xf32, #tpu.memory_space<vmem>>) target(%dma_start3A_14 : memref<64x4x16xf32, #tpu.memory_space<hbm>>) target_semaphore(%run_scoped3A : memref<!tpu.dma_semaphore, #tpu.memory_space<semaphore_mem>>)
      %dma_wait3A = arith.constant 0 : i32
      %dma_wait3A_15 = arith.constant 0 : i32
      %dma_wait3A_16 = arith.constant 0 : i32
      %dma_wait3A_17 = tpu.memref_slice %arg5[%add3A, %dma_wait3A, %dma_wait3A_15, %dma_wait3A_16] : memref<32x64x4x16xf32, #tpu.memory_space<hbm>> -> memref<1x64x4x16xf32, #tpu.memory_space<hbm>>
      %dma_wait3A_18 = tpu.memref_squeeze %dma_wait3A_17 : memref<1x64x4x16xf32, #tpu.memory_space<hbm>> -> memref<64x4x16xf32, #tpu.memory_space<hbm>>
      %dma_wait3A_19 = arith.constant 0 : i32
      %dma_wait3A_20 = arith.constant 0 : i32
      %dma_wait3A_21 = arith.constant 0 : i32
      %dma_wait3A_22 = tpu.memref_slice %arg5[%add3A, %dma_wait3A_19, %dma_wait3A_20, %dma_wait3A_21] : memref<32x64x4x16xf32, #tpu.memory_space<hbm>> -> memref<1x64x4x16xf32, #tpu.memory_space<hbm>>
      %dma_wait3A_23 = tpu.memref_squeeze %dma_wait3A_22 : memref<1x64x4x16xf32, #tpu.memory_space<hbm>> -> memref<64x4x16xf32, #tpu.memory_space<hbm>>
      tpu.wait_dma2 semaphore(%run_scoped3A : memref<!tpu.dma_semaphore, #tpu.memory_space<semaphore_mem>>) src(%arg10 : memref<64x4x16xf32, #tpu.memory_space<vmem>>) dst(%dma_wait3A_23 : memref<64x4x16xf32, #tpu.memory_space<hbm>>)
      tpu.yield
    }) : () -> ()
    return
  }
}

</mosaic_0001>

<sc_bundles>
// kernel: kernel.3.cloned.1.call-start
scs
__scs_entry_jumppad:
0x0: {  	(pc) =	sbr.rel $0x88, $3  }
0x1: {  	(tag) =	ssettag $0x0;
	lr =	simm.s32 $0x1  }
0x2: {  	[smem:$0x3F9E] =	sst lr;
	_ =	strace $0xD0000000  }
0x3: {  	_ = 	snop  }
0x4: {  	_ = 	snop  }
0x5: {  	_ = 	snop  }
0x6: {  	_ = 	snop  }
0x7: {  	_ = 	snop  }
__scs_overlays_trampoline_lowered:
0x8: {  	[smem:$0x3FAD] =	sst s0  }
0x9: {  	[smem:$0x3FAE] =	sst s1  }
0xa: {  	[smem:$0x3FAF] =	sst s2  }
0xb: {  	[smem:$0x3FB0] =	sst s3  }
0xc: {  	[smem:$0x3FB1] =	sst s4  }
0xd: {  	[smem:$0x3FB2] =	sst s5  }
0xe: {  	[smem:$0x3FB3] =	sst s6  }
0xf: {  	[smem:$0x3FB4] =	sst s7  }
0x10: {  	[smem:$0x3FB5] =	sst s8  }
0x11: {  	[smem:$0x3FB6] =	sst s9;
	s0 =	simm.s32 @!p0 $0x0  }
0x12: {  	s1 =	sld [smem:$0x3F9C];
	s0 =	simm.s32 @p0 $0x1  }
0x13: {  	[smem:$0x3FB7] =	sst s0;
	s0 =	simm.s32 @!p1 $0x0  }
0x14: {  	s2 =	sld [smem:$0x3F9B];
	s0 =	simm.s32 @p1 $0x1  }
0x15: {  	[smem:$0x3FB8] =	sst s0;
	s0 =	simm.s32 @!p2 $0x0  }
0x16: {  	s3 =	sld [smem:$0x3FDB];
	s0 =	simm.s32 @p2 $0x1  }
0x17: {  	s4 =	simm.s32 $0x1BF5;
	[smem:$0x3FBA] =	sst s0  }
0x18: {  	s0 =	sld [smem:$0x3F9D];
	_ =	swait.ge [sflag:s4], $0x0  }
0x19: {  	s7 =	sld [smem:$0x3F9E]  }
0x1a: {  	s8 =	sadd.s32 $0xFFFFE003, lr  }
0x1b: {  	s9 =	sadd.s32 $0xFFFFFEF7, lr;
	s5 =	simm.s32 $0xFFFFFFFF;
	p2 =	slt.u32 s8, $0xFFFFF086  }
0x1c: {  	p1 =	slt.u32 s9, $0xF7A;
	s5 =	simm.s32 @!p2 $0x0  }
0x1d: {  	s5 =	simm.s32 @p1 $0x1;
	p0 =	seq.s32 s7, s2  }
0x1e: {  	s7 =	smul.u32 @!p0 $0xF7A, s2;
	p2 =	seq.s32 @!p0 s5, $0x0  }
0x1f: {  	s9 =	smul.u32 $0xF7A, s1;
	s8 =	simm.s32 @!p0 $0x1BF5;
	p2 =	por !p2, p0  }
0x20: {  	[sflag:s8] =	ssyncset.s32 @!p0 $0xFFFFF086;
	s6 =	sadd.s32 @!p0 s3, s7;
	s7 =	simm.s32 @!p0 $0x108  }
0x21: {  	s3 =	sadd.s32 s3, s9;
	s6 =	sadd.s32 @!p0 $0x88, s6;
	s7 =	simm.s32 @p2 $0x1082  }
0x22: {  	[simem:s7], [sflag:s8] =	dma.local @!p0 [hbm:s6], $0xF7A  }
0x23: {  	s9 =	sor.u32 $0xD0000000, s2;
	s6 =	simm.s32 $0x108;
	_ =	swait.ge @!p0 [sflag:s8], $0x0  }
0x24: {  	s3 =	sadd.s32 $0x88, s3;
	s6 =	simm.s32 @!p1 $0x1082;
	[sflag:s4] =	ssyncset.s32 $0xFFFFF086  }
0x25: {  	[simem:s6], [sflag:s4] =	dma.local [hbm:s3], $0xF7A  }
0x26: {  	[smem:$0x3F9E] =	sst s1;
	(tag) =	ssettag s2;
	_ =	strace s9  }
0x27: {  	s1 =	sld [smem:$0x3FAE]  }
0x28: {  	s2 =	sld [smem:$0x3FAF]  }
0x29: {  	s4 =	sld [smem:$0x3FB1]  }
0x2a: {  	p0 =	seq.s32 s5, $0x0;
	s5 =	sld [smem:$0x3FB2]  }
0x2b: {  	s6 =	sld [smem:$0x3FB3]  }
0x2c: {  	s7 =	sld [smem:$0x3FB4]  }
0x2d: {  	s3 =	simm.s32 $0x108;
	s8 =	sld [smem:$0x3FB5]  }
0x2e: {  	s3 =	simm.s32 @!p0 $0x1082;
	s9 =	sld [smem:$0x3FB6]  }
0x2f: {  	lr =	sadd.s32 s0, s3;
	s0 =	sld [smem:$0x3FAD]  }
0x30: {  	s3 =	sld [smem:$0x3FB0]  }
0x31: {  	[smem:$0x3FB9] =	sst s10  }
0x32: {  	s10 =	sld [smem:$0x3FB7];
	_ =	sdelay $0x3  }
0x33: {  	p0 =	seq.s32 s10, $0x1;
	s10 =	sld [smem:$0x3FB9];
	_ =	sdelay $0x3  }
0x34: {  	[smem:$0x3FB9] =	sst s10  }
0x35: {  	s10 =	sld [smem:$0x3FB8];
	_ =	sdelay $0x3  }
0x36: {  	p1 =	seq.s32 s10, $0x1;
	s10 =	sld [smem:$0x3FB9];
	_ =	sdelay $0x3  }
0x37: {  	[smem:$0x3FB9] =	sst s10  }
0x38: {  	s10 =	sld [smem:$0x3FBA]  }
0x39: {  	_ = 	snop;
	(pc) =	sbr.ind lr, $3  }
0x3a: {  	_ = 	snop  }
0x3b: {  	_ = 	snop  }
0x3c: {  	p2 =	seq.s32 s10, $0x1;
	s10 =	sld [smem:$0x3FB9]  }
0x3d: {  	_ =	shalt  }
0x3e: {  	_ =	shalt  }
0x3f: {  	_ =	shalt  }
0x40: {  	_ =	shalt  }
0x41: {  	_ =	shalt  }
0x42: {  	_ =	shalt  }
0x43: {  	_ =	shalt  }
0x44: {  	_ =	shalt  }
0x45: {  	_ =	shalt  }
0x46: {  	_ =	shalt  }
0x47: {  	_ =	shalt  }
0x48: {  	_ =	shalt  }
0x49: {  	_ =	shalt  }
0x4a: {  	_ =	shalt  }
0x4b: {  	_ =	shalt  }
0x4c: {  	_ =	shalt  }
0x4d: {  	_ =	shalt  }
0x4e: {  	_ =	shalt  }
0x4f: {  	_ =	shalt  }
0x50: {  	_ =	shalt  }
0x51: {  	_ =	shalt  }
0x52: {  	_ =	shalt  }
0x53: {  	_ =	shalt  }
0x54: {  	_ =	shalt  }
0x55: {  	_ =	shalt  }
0x56: {  	_ =	shalt  }
0x57: {  	_ =	shalt  }
0x58: {  	_ =	shalt  }
0x59: {  	_ =	shalt  }
0x5a: {  	_ =	shalt  }
0x5b: {  	_ =	shalt  }
0x5c: {  	_ =	shalt  }
0x5d: {  	_ =	shalt  }
0x5e: {  	_ =	shalt  }
0x5f: {  	_ =	shalt  }
0x60: {  	_ =	shalt  }
0x61: {  	_ =	shalt  }
0x62: {  	_ =	shalt  }
0x63: {  	_ =	shalt  }
0x64: {  	_ =	shalt  }
0x65: {  	_ =	shalt  }
0x66: {  	_ =	shalt  }
0x67: {  	_ =	shalt  }
0x68: {  	_ =	shalt  }
0x69: {  	_ =	shalt  }
0x6a: {  	_ =	shalt  }
0x6b: {  	_ =	shalt  }
0x6c: {  	_ =	shalt  }
0x6d: {  	_ =	shalt  }
0x6e: {  	_ =	shalt  }
0x6f: {  	_ =	shalt  }
0x70: {  	_ =	shalt  }
0x71: {  	_ =	shalt  }
0x72: {  	_ =	shalt  }
0x73: {  	_ =	shalt  }
0x74: {  	_ =	shalt  }
0x75: {  	_ =	shalt  }
0x76: {  	_ =	shalt  }
0x77: {  	_ =	shalt  }
0x78: {  	_ =	shalt  }
0x79: {  	_ =	shalt  }
0x7a: {  	_ =	shalt  }
0x7b: {  	_ =	shalt  }
0x7c: {  	_ =	shalt  }
0x7d: {  	_ =	shalt  }
0x7e: {  	_ =	shalt  }
0x7f: {  	_ =	shalt  }
0x80: {  	_ =	shalt  }
0x81: {  	_ =	shalt  }
0x82: {  	_ =	shalt  }
0x83: {  	_ =	shalt  }
0x84: {  	_ =	shalt  }
0x85: {  	_ =	shalt  }
0x86: {  	_ =	shalt  }
0x87: {  	_ =	shalt  }
.Lfunc_end0:
.L_simem_size_0:
called_computation_lowered:
.L_overlay_start_0:
0x88: {  	s2 =	sld [smem:$0x3FD9]  }
0x89: {  	s3 =	sld [smem:$0x3FFE];
	_ =	sdelay $0x1  }
0x8a: {  	s1 =	srdreg.scid  }
0x8b: {  	s0 =	sand.u32 $0x1, s1  }
0x8c: {  	s17 =	sshll.u32 s0, $0xA;
	s2 =	sadd.s32 s3, s2  }
0x8d: {  	s2 =	sadd.s32 s2, s17  }
0x8e: {  	[smem:$0x3FC5] =	sst s2  }
0x8f: {  	_ = 	snop  }
0x90: {  	s2 =	sld [smem:$0x3FD0];
	(tm) =	ssettm $0x1  }
0x91: {  	s18 =	sld [smem:$0x3FFB];
	_ =	sdelay $0x3  }
0x92: {  	_ =	strace s18  }
0x93: {  	s3 =	sld [smem:$0x3FFC];
	_ =	sdelay $0x3  }
0x94: {  	_ =	strace s3  }
0x95: {  	s3 =	sld [smem:$0x3FFD];
	_ =	sdelay $0x3  }
0x96: {  	_ =	strace s3  }
0x97: {  	_ =	strace $0x8FFFFFFF  }
0x98: {  	s19 =	sld [smem:$0x3FDB];
	_ =	sdelay $0x1  }
0x99: {  	s4 =	simm.s32 $_scs_section_size  }
0x9a: {  	s5 =	simm.s32 $_size__tile_overlayer_lowered;
	s6 =	simm.s32 $_tile_overlayer_lowered  }
0x9b: {  	s22 =	simm.s32 $0x1BFF;
	s21 =	sshll.u32 s6, $0x1;
	s3 =	sadd.s32 s4, s19  }
0x9c: {  	s7 =	simm.s32 $0x0;
	s20 =	sshll.u32 s5, $0x1;
	s5 =	sadd.s32 s21, s3  }
0x9d: {  	[timem:s7], [sflag:s22] =	dma.local [hbm:s5], s20  }
0x9e: {  	_ =	swait.ge [sflag:s22], s20  }
0x9f: {  	s4 =	ssub.s32 $0x0, s20;
	[sflag:s22] =	ssyncset.done $0x0  }
0xa0: {  	[sflag:s22] =	ssyncadd.s32 s4;
	_ =	sdelay $0x1  }
0xa1: {  	s23 =	simm.s32 $0x1B8B  }
0xa2: {  	_ =	swait.ge [sflag:s23], $0x1  }
0xa3: {  	[sflag:s23] =	ssyncset.done $0x0  }
0xa4: {  	s25 =	simm.s32 $0x1B8E;
	s24 =	sld [smem:$0x3FFE];
	[sflag:s23] =	ssyncadd.s32 $0xFFFFFFFF  }
0xa5: {  	s26 =	simm.s32 $execute0_lowered;
	[smem:$0x3FD2] =	sst s25  }
0xa6: {  	s5 =	sshll.u32 s26, $0x1;
	_ =	strace $0x80000046;
	[dreg:$0x1] =	wrdreg $0xFFFFFFFF  }
0xa7: {  	s28 =	simm.s32 $_size_execute0_lowered;
	s3 =	sadd.s32 s3, s5;
	[dreg:$0x0] =	wrdreg $0x0  }
0xa8: {  	s5 =	sshll.u32 s28, $0x1;
	[dreg:$0x2] =	wrdreg s3  }
0xa9: {  	[dreg:$0x3] =	wrdreg s5  }
0xaa: {  	[dreg:$0x4] =	wrdreg $0xC0  }
0xab: {  	_ =	task [dreg:s7], $0x5FFFF  }
0xac: {  	[dreg:$0x1] =	wrdreg $0xFFFFFFFF  }
0xad: {  	[dreg:$0x0] =	wrdreg $0x60  }
0xae: {  	[dreg:$0x2] =	wrdreg s24  }
0xaf: {  	[dreg:$0x3] =	wrdreg s2  }
0xb0: {  	[dreg:$0x4] =	wrdreg $0x9  }
0xb1: {  	_ =	task.clear_ibuf [dreg:s7], $0x5FFFF;
	_ =	strace $0x90000046  }
0xb2: {  	s29 =	simm.s32 $0x9;
	_ =	strace $0x80000048  }
0xb3: {  	_ =	swait.ge [sflag:s29], $0x1  }
0xb4: {  	[sflag:s29] =	ssyncadd.s32 $0xFFFFFFFF  }
0xb5: {  	_ =	strace $0x90000048  }
0xb6: {  	_ =	sfence  }
0xb7: {  	s30 =	sld [smem:$0x0];
	_ =	sdelay $0x2  }
0xb8: {  	s31 =	sshll.u32 s1, $0xD;
	s1 =	sshrl.u32 s1, $0x2  }
0xb9: {  	s3 =	sand.u32 $0x4000, s31;
	s1 =	sadd.s32 s1, s30  }
0xba: {  	s0 =	sor.u32 s3, s0;
	s1 =	sshll.u32 s1, $0x11  }
0xbb: {  	s0 =	sor.u32 s1, s0  }
0xbc: {  	s0 =	sadd.s32 $0x8F2B, s0  }
0xbd: {  	[sflag:s0] =	ssyncadd.remote.s32 $0x1  }
0xbe: {  	_ =	sfence.sel $0xFFFF  }
0xbf: {  	[dreg:$0x0] =	wrdreg $0xFFFFFFFF;
	(pc) =	sbr.abs _section_cstart, $3  }
0xc0: {  	[dreg:$0x1] =	wrdreg $0xFFFFFFFF  }
0xc1: {  	_ =	task.clear_ibuf [dreg:s7], $0x2FFFF;
	_ =	strace $0x9FFFFFFF  }
0xc2: {  	(tm) =	ssettm $0x7FFFFFFF  }
0xc3: {  	_ =	shalt  }
tec
execute0_lowered:
.L_overlay_start_1:
0x0: {  	(tag) =	ssettag $0x1  }
0x1: {  	s4 =	rddreg [dreg:$0x0]  }
0x2: {  	s5 =	rddreg [dreg:$0x1]  }
0x3: {  	s0 =	rddreg [dreg:$0x2];
	s2 =	simm.s32 $0x0;
	s3 =	srdreg.scid  }
0x4: {  	s1 =	stileid.u32;
	s10 =	simm.s32 $0x2000;
	s11 =	simm.s32 $0x1  }
0x5: {  	s12 =	simm.s32 $0x6000;
	s13 =	simm.s32 $0x7000;
	s14 =	simm.s32 $0x0  }
0x6: {  	[smem:$0x7FF] =	sst s2;
	s6 =	sand.u32 $0x1, s3;
	s31 =	sshll.u32 s1, $0x1  }
0x7: {  	s3 =	sadd.s32 $0x10000, s4;
	s7 =	sor.u32 s6, s31;
	s6 =	ssub.s32 $0x2, s6  }
0x8: {  	_ =	strace $0x80000047;
	s8 =	sshll.u32 s7, $0x9;
	s9 =	sshrl.u32 s6, $0x1  }
0x9: {  	s7 =	sshll.u32 s7, $0x1;
	s8 =	sadd.s32 s8, s4;
	s9 =	ssub.s32 s6, s9  }
0xa: {  	s4 =	sadd.s32 s4, s7;
	s5 =	sadd.s32 s5, s7;
	s6 =	sadd.s32 $0x12000, s8  }
0xb: {  	s7 =	smax.u32 s9, $0x1;
	s8 =	simm.s32 $0x10;
	s9 =	simm.s32 $0x200  }
.LBB2_1:
0xc: {  	[tilespmem:s10], [sflag:$0x1] =	stream.strided.gather [hbm4b:s4+s8], $0x4000, s9, s8, $0x38;
	[tilespmem:$0x8000] =	vst v63  }
0xd: {  	_ =	swait.ge [sflag:s11], $0x4000  }
0xe: {  	[sflag:s11] =	ssyncset.done $0x0  }
0xf: {  	[sflag:s11] =	ssyncadd.s32 $0xFFFFC000  }
0x10: {  	[tilespmem:s12], [sflag:$0x1] =	stream.strided.gather [hbm4b:s5+s8], $0x1000, s9, s8, $0x38;
	[tilespmem:$0x8000] =	vst v63  }
0x11: {  	_ =	swait.ge [sflag:s11], $0x1000  }
0x12: {  	[sflag:s11] =	ssyncset.done $0x0  }
0x13: {  	s15 =	simm.s32 $0x0;
	[sflag:s11] =	ssyncadd.s32 $0xFFFFF000  }
.LBB2_2:
0x14: {  	s16 =	sshll.u32 s15, $0x9  }
0x15: {  	s17 =	simm.s32 $0x0;
	s16 =	sadd.s32 s3, s16  }
0x16: {  	[tilespmem:s17], [sflag:$0x1] =	stream.linear.gather [hbm4b:s16+s17], $0x1000, $0x38;
	[tilespmem:$0x8000] =	vst v63  }
0x17: {  	_ =	swait.ge [sflag:s11], $0x1000  }
0x18: {  	[sflag:s11] =	ssyncset.done $0x0  }
0x19: {  	s17 =	simm.s32 $0x0;
	[sflag:s11] =	ssyncadd.s32 $0xFFFFF000  }
0x1a: {  	v0 =	vld [tilespmem:s17+$0xC00]  }
0x1b: {  	v1 =	vld [tilespmem:s17+$0x0]  }
0x1c: {  	v2 =	vld [tilespmem:s17+$0x400]  }
0x1d: {  	v3 =	vld [tilespmem:s17+$0x800]  }
0x1e: {  	s16 =	simm.s32 $0x10  }
0x1f: {  	v4 =	vld [tilespmem:s16+$0xC00];
	v0 =	vmul.f32 $2.550000000e+02, v0  }
0x20: {  	v7 =	vld [tilespmem:s16+$0x800];
	v1 =	vmul.f32 $2.550000000e+02, v1  }
0x21: {  	v2 =	vmul.f32 $2.550000000e+02, v2;
	v0 =	vadd.f32 $1.258291200e+07, v0  }
0x22: {  	v3 =	vmul.f32 $2.550000000e+02, v3;
	v1 =	vadd.f32 $1.258291200e+07, v1  }
0x23: {  	v2 =	vadd.f32 $1.258291200e+07, v2;
	v0 =	vadd.f32 $-1.258291200e+07, v0  }
0x24: {  	v4 =	vmul.f32 $2.550000000e+02, v4;
	v3 =	vadd.f32 $1.258291200e+07, v3;
	v1 =	vadd.f32 $-1.258291200e+07, v1  }
0x25: {  	v5 =	vld [tilespmem:s16+$0x0];
	v7 =	vmul.f32 $2.550000000e+02, v7;
	v2 =	vadd.f32 $-1.258291200e+07, v2;
	v0 =	vtrunc.f32 v0  }
0x26: {  	v6 =	vld [tilespmem:s16+$0x400];
	v3 =	vadd.f32 $-1.258291200e+07, v3;
	v1 =	vtrunc.f32 v1;
	v0 =	vcvt.f32.s32 v0  }
0x27: {  	v4 =	vadd.f32 $1.258291200e+07, v4;
	v2 =	vtrunc.f32 v2;
	v1 =	vcvt.f32.s32 v1  }
0x28: {  	v3 =	vtrunc.f32 v3;
	v2 =	vcvt.f32.s32 v2;
	vm0 =	vgt.s32 v0, $0x0  }
0x29: {  	v3 =	vcvt.f32.s32 v3;
	vm1 =	vgt.s32 v1, $0x0;
	v0 =	vnsel vm0, $0x0, v0  }
0x2a: {  	vm14 =	vgt.s32 v2, $0x0;
	v8 =	vmin.u32 v0, $0xFF;
	v0 =	vmul.f32 $2.550000000e+02, v5  }
0x2b: {  	vm15 =	vgt.s32 v3, $0x0;
	v5 =	vnsel vm1, $0x0, v1;
	v1 =	vmul.f32 $2.550000000e+02, v6  }
0x2c: {  	v6 =	vnsel vm14, $0x0, v2;
	v2 =	vadd.f32 $-1.258291200e+07, v4;
	v9 =	vadd.f32 $1.258291200e+07, v0  }
0x2d: {  	v4 =	vadd.f32 $1.258291200e+07, v7;
	[tilespmem:s17+$0x1C00] =	vst v8;
	v5 =	vmin.u32 v5, $0xFF;
	v1 =	vadd.f32 $1.258291200e+07, v1  }
0x2e: {  	s18 =	simm.s32 $0x20;
	s19 =	simm.s32 $0xC0;
	v0 =	vnsel vm15, $0x0, v3;
	[tilespmem:s17+$0x1000] =	vst v5;
	v5 =	vmin.u32 v6, $0xFF;
	v3 =	vadd.f32 $-1.258291200e+07, v9  }
.LBB2_3:
0x2f: {  	p0 =	sne.s32 s19, $0xFC0;
	v6 =	vld [tilespmem:s18+$0xC00];
	v1 =	vadd.f32 $-1.258291200e+07, v1;
	v2 =	vtrunc.f32 v2;
	[tilespmem:s17+$0x1400] =	vst v5;
	v0 =	vmin.u32 v0, $0xFF  }
0x30: {  	v5 =	vld [tilespmem:s18+$0x0];
	v3 =	vtrunc.f32 v3;
	v4 =	vadd.f32 $-1.258291200e+07, v4;
	v2 =	vcvt.f32.s32 v2;
	[tilespmem:s17+$0x1800] =	vst v0;
	s17 =	smov.u32 s16;
	s16 =	smov.u32 s18  }
0x31: {  	v0 =	vld [tilespmem:s16+$0x400];
	v3 =	vcvt.f32.s32 v3;
	v1 =	vtrunc.f32 v1  }
0x32: {  	v7 =	vld [tilespmem:s16+$0x800];
	v1 =	vcvt.f32.s32 v1;
	v4 =	vtrunc.f32 v4;
	vm0 =	vgt.s32 v2, $0x0  }
0x33: {  	vm1 =	vgt.s32 v3, $0x0;
	v4 =	vcvt.f32.s32 v4;
	v2 =	vnsel vm0, $0x0, v2  }
0x34: {  	v6 =	vmul.f32 $2.550000000e+02, v6;
	vm0 =	vgt.s32 v1, $0x0;
	v2 =	vmin.u32 v2, $0xFF  }
.Ltmp0:
0x35: {  	v3 =	vnsel vm1, $0x0, v3;
	v5 =	vmul.f32 $2.550000000e+02, v5;
	vm1 =	vgt.s32 v4, $0x0;
	[tilespmem:s17+$0x1C00] =	vst v2;
	(pc) =	sbr.rel @p0 .LBB2_3-.Ltmp0, $4  }
0x36: {  	v8 =	vnsel vm0, $0x0, v1;
	v2 =	vmul.f32 $2.550000000e+02, v0;
	v6 =	vadd.f32 $1.258291200e+07, v6  }
0x37: {  	v0 =	vnsel vm1, $0x0, v4;
	v5 =	vadd.f32 $1.258291200e+07, v5;
	v7 =	vmul.f32 $2.550000000e+02, v7  }
0x38: {  	v1 =	vadd.f32 $1.258291200e+07, v2;
	v2 =	vadd.f32 $-1.258291200e+07, v6;
	v6 =	vmin.u32 v3, $0xFF  }
0x39: {  	s18 =	sshra.s32 s19, $0x2;
	s19 =	sadd.s32 $0x40, s19;
	v3 =	vadd.f32 $-1.258291200e+07, v5;
	v4 =	vadd.f32 $1.258291200e+07, v7;
	[tilespmem:s17+$0x1000] =	vst v6;
	v5 =	vmin.u32 v8, $0xFF  }
0x3a: {  	v6 =	vld [tilespmem:s18+$0xC00];
	[tilespmem:s17+$0x1400] =	vst v5;
	v1 =	vadd.f32 $-1.258291200e+07, v1;
	v2 =	vtrunc.f32 v2;
	v0 =	vmin.u32 v0, $0xFF  }
0x3b: {  	v5 =	vld [tilespmem:s18+$0x0];
	v3 =	vtrunc.f32 v3;
	v4 =	vadd.f32 $-1.258291200e+07, v4;
	v2 =	vcvt.f32.s32 v2;
	[tilespmem:s17+$0x1800] =	vst v0  }
0x3c: {  	v0 =	vld [tilespmem:s18+$0x400];
	v3 =	vcvt.f32.s32 v3;
	v1 =	vtrunc.f32 v1  }
0x3d: {  	v7 =	vld [tilespmem:s18+$0x800];
	v1 =	vcvt.f32.s32 v1;
	v4 =	vtrunc.f32 v4  }
0x3e: {  	vm0 =	vgt.s32 v2, $0x0;
	vm1 =	vgt.s32 v3, $0x0;
	v4 =	vcvt.f32.s32 v4  }
0x3f: {  	v2 =	vnsel vm0, $0x0, v2;
	v6 =	vmul.f32 $2.550000000e+02, v6;
	vm10 =	vgt.s32 v1, $0x0  }
0x40: {  	v2 =	vmin.u32 v2, $0xFF;
	v3 =	vnsel vm1, $0x0, v3;
	v5 =	vmul.f32 $2.550000000e+02, v5  }
0x41: {  	vm11 =	vgt.s32 v4, $0x0;
	v0 =	vmul.f32 $2.550000000e+02, v0;
	v6 =	vadd.f32 $1.258291200e+07, v6  }
0x42: {  	v1 =	vnsel vm10, $0x0, v1;
	v7 =	vmul.f32 $2.550000000e+02, v7;
	v5 =	vadd.f32 $1.258291200e+07, v5  }
0x43: {  	v3 =	vmin.u32 v3, $0xFF;
	v0 =	vadd.f32 $1.258291200e+07, v0;
	v6 =	vadd.f32 $-1.258291200e+07, v6  }
0x44: {  	v4 =	vnsel vm11, $0x0, v4;
	v7 =	vadd.f32 $1.258291200e+07, v7;
	v5 =	vadd.f32 $-1.258291200e+07, v5  }
0x45: {  	v1 =	vmin.u32 v1, $0xFF;
	v0 =	vadd.f32 $-1.258291200e+07, v0;
	v6 =	vtrunc.f32 v6  }
0x46: {  	v7 =	vadd.f32 $-1.258291200e+07, v7;
	v5 =	vtrunc.f32 v5;
	v6 =	vcvt.f32.s32 v6  }
0x47: {  	[tilespmem:s16+$0x1C00] =	vst v2;
	v2 =	vmin.u32 v4, $0xFF;
	v4 =	vcvt.f32.s32 v5;
	v0 =	vtrunc.f32 v0  }
0x48: {  	[tilespmem:s16+$0x1000] =	vst v3;
	v3 =	vtrunc.f32 v7;
	v0 =	vcvt.f32.s32 v0;
	vm12 =	vgt.s32 v6, $0x0  }
0x49: {  	[tilespmem:s16+$0x1400] =	vst v1;
	v1 =	vcvt.f32.s32 v3;
	vm13 =	vgt.s32 v4, $0x0;
	v3 =	vnsel vm12, $0x0, v6  }
0x4a: {  	[tilespmem:s16+$0x1800] =	vst v2;
	vm14 =	vgt.s32 v0, $0x0;
	v2 =	vmin.u32 v3, $0xFF;
	v3 =	vnsel vm13, $0x0, v4  }
0x4b: {  	vm15 =	vgt.s32 v1, $0x0;
	[tilespmem:s18+$0x1C00] =	vst v2;
	v0 =	vnsel vm14, $0x0, v0;
	v2 =	vmin.u32 v3, $0xFF  }
0x4c: {  	v1 =	vnsel vm15, $0x0, v1;
	[tilespmem:s18+$0x1000] =	vst v2;
	v0 =	vmin.u32 v0, $0xFF  }
0x4d: {  	[tilespmem:s18+$0x1400] =	vst v0;
	v0 =	vmin.u32 v1, $0xFF  }
0x4e: {  	s22 =	simm.s32 $0x400;
	[tilespmem:s18+$0x1800] =	vst v0  }
0x4f: {  	v0 =	vld [tilespmem:s22+$0x1800];
	_ =	sdelay $0x4  }
0x50: {  	v0 =	vshll.u32 v0, $0x6  }
0x51: {  	v7 =	vld [tilespmem:s22+$0xC00];
	v0 =	vshra.s32 v0, $0x2  }
0x52: {  	v11 =	vld [tilespmem:s22+$0x1000];
	v13 =	vadd.s32 $0x6000, v0  }
0x53: {  	s16 =	simm.s32 $0x2080;
	v12 =	vld [tilespmem:s22+$0x1400];
	(v2sf) =	vpush v13, $0x0  }
0x54: {  	v3 =	vld [tilespmem:s16+$0x70];
	(v2sf) =	vpush v13, $0x1  }
0x55: {  	v4 =	vld [tilespmem:s16+$0x60];
	(v2sf) =	vpush v13, $0x2  }
0x56: {  	v6 =	vld [tilespmem:s16+$0x50];
	(v2sf) =	vpush v13, $0x3  }
0x57: {  	v8 =	vld [tilespmem:s16+$0x40];
	(v2sf) =	vpush v13, $0x4  }
0x58: {  	v9 =	vld [tilespmem:s16+$0x30];
	(v2sf) =	vpush v13, $0x5  }
0x59: {  	v1 =	vld [tilespmem:s16+$0x10];
	(v2sf) =	vpush v13, $0x6  }
0x5a: {  	v2 =	vld [tilespmem:s16+$0x0];
	(v2sf) =	vpush v13, $0x7  }
0x5b: {  	v10 =	vld [tilespmem:s16+$0xFFFFFFF0];
	(v2sf) =	vpush v13, $0x8  }
0x5c: {  	v14 =	vld [tilespmem:s16+$0xFFFFFFE0];
	(v2sf) =	vpush v13, $0x9  }
0x5d: {  	v15 =	vld [tilespmem:s16+$0xFFFFFFD0];
	(v2sf) =	vpush v13, $0xA  }
0x5e: {  	v16 =	vld [tilespmem:s16+$0xFFFFFFC0];
	(v2sf) =	vpush v13, $0xB  }
0x5f: {  	v5 =	vld [tilespmem:s16+$0xFFFFFFB0];
	(v2sf) =	vpush v13, $0xC  }
0x60: {  	v17 =	vld [tilespmem:s16+$0xFFFFFFA0];
	v7 =	vshll.u32 v7, $0x6;
	v11 =	vshll.u32 v11, $0x6;
	(v2sf) =	vpush v13, $0xD  }
0x61: {  	v20 =	vld [tilespmem:s16+$0xFFFFFF80];
	v18 =	vshll.u32 v12, $0x6;
	v7 =	vshra.s32 v7, $0x2;
	(v2sf) =	vpush v13, $0xE  }
0x62: {  	v19 =	vld [tilespmem:s16+$0xFFFFFF90];
	v11 =	vshra.s32 v11, $0x2;
	v12 =	vadd.s32 $0x6000, v7;
	s23 =	spop (v2sf);
	(v2sf) =	vpush v13, $0xF  }
0x63: {  	v0 =	vld [tilespmem:s16+$0x20];
	v7 =	vshra.s32 v18, $0x2;
	v13 =	vadd.s32 $0x6000, v11;
	(v2sf) =	vpush v12, $0x0;
	s24 =	spop (v2sf)  }
0x64: {  	v11 =	vadd.s32 $0x6000, v7;
	v18 =	vld [tilespmem:s23+$0x0];
	(v2sf) =	vpush v13, $0x0;
	s25 =	spop (v2sf)  }
0x65: {  	v7 =	vld [tilespmem:s24+$0x0];
	(v2sf) =	vpush v11, $0x0;
	s26 =	spop (v2sf)  }
0x66: {  	v21 =	vld [tilespmem:s25+$0x0];
	(v2sf) =	vpush v12, $0x1;
	s28 =	spop (v2sf)  }
0x67: {  	v22 =	vld [tilespmem:s26+$0x0];
	(v2sf) =	vpush v13, $0x1;
	s29 =	spop (v2sf)  }
0x68: {  	v23 =	vld [tilespmem:s28+$0x0];
	(v2sf) =	vpush v11, $0x1;
	s30 =	spop (v2sf)  }
0x69: {  	v24 =	vld [tilespmem:s29+$0x0];
	(v2sf) =	vpush v12, $0x2;
	s31 =	spop (v2sf)  }
0x6a: {  	v25 =	vld [tilespmem:s30+$0x0];
	(v2sf) =	vpush v13, $0x2;
	s18 =	spop (v2sf)  }
0x6b: {  	v18 =	vxor.u32 v20, v18;
	v7 =	vxor.u32 v19, v7;
	v26 =	vld [tilespmem:s31+$0x0];
	(v2sf) =	vpush v11, $0x2;
	s19 =	spop (v2sf)  }
0x6c: {  	v7 =	vadd.s32 v18, v7;
	v18 =	vxor.u32 v17, v21;
	v27 =	vld [tilespmem:s18+$0x0];
	(v2sf) =	vpush v12, $0x3;
	s20 =	spop (v2sf)  }
0x6d: {  	v7 =	vadd.s32 v18, v7;
	v18 =	vxor.u32 v5, v22;
	v28 =	vld [tilespmem:s19+$0x0];
	(v2sf) =	vpush v13, $0x3;
	s21 =	spop (v2sf)  }
0x6e: {  	v7 =	vadd.s32 v18, v7;
	v18 =	vxor.u32 v16, v23;
	v21 =	vld [tilespmem:s20+$0x0];
	(v2sf) =	vpush v11, $0x3;
	s22 =	spop (v2sf)  }
0x6f: {  	v7 =	vadd.s32 v18, v7;
	v18 =	vxor.u32 v15, v24;
	v22 =	vld [tilespmem:s21+$0x0];
	(v2sf) =	vpush v12, $0x4;
	s23 =	spop (v2sf)  }
0x70: {  	v7 =	vadd.s32 v18, v7;
	v18 =	vxor.u32 v14, v25;
	v23 =	vld [tilespmem:s22+$0x0];
	(v2sf) =	vpush v13, $0x4;
	s24 =	spop (v2sf)  }
0x71: {  	v7 =	vadd.s32 v18, v7;
	v18 =	vxor.u32 v10, v26;
	v24 =	vld [tilespmem:s23+$0x0];
	(v2sf) =	vpush v11, $0x4;
	s25 =	spop (v2sf)  }
0x72: {  	v7 =	vadd.s32 v18, v7;
	v18 =	vxor.u32 v2, v27;
	v25 =	vld [tilespmem:s24+$0x0];
	s26 =	spop (v2sf);
	(v2sf) =	vpush v12, $0x5  }
0x73: {  	v7 =	vadd.s32 v18, v7;
	v18 =	vxor.u32 v1, v28;
	v26 =	vld [tilespmem:s25+$0x0];
	s28 =	spop (v2sf);
	(v2sf) =	vpush v13, $0x5  }
0x74: {  	v7 =	vadd.s32 v18, v7;
	v18 =	vxor.u32 v0, v21;
	v27 =	vld [tilespmem:s26+$0x0];
	s29 =	spop (v2sf);
	(v2sf) =	vpush v11, $0x5  }
0x75: {  	v7 =	vadd.s32 v18, v7;
	v18 =	vxor.u32 v9, v22;
	v28 =	vld [tilespmem:s28+$0x0];
	s30 =	spop (v2sf);
	(v2sf) =	vpush v12, $0x6  }
0x76: {  	v7 =	vadd.s32 v18, v7;
	v18 =	vxor.u32 v8, v23;
	v21 =	vld [tilespmem:s29+$0x0];
	s31 =	spop (v2sf);
	(v2sf) =	vpush v13, $0x6  }
0x77: {  	v7 =	vadd.s32 v18, v7;
	v18 =	vxor.u32 v6, v24;
	v22 =	vld [tilespmem:s30+$0x0];
	s18 =	spop (v2sf);
	(v2sf) =	vpush v11, $0x6  }
0x78: {  	v7 =	vadd.s32 v18, v7;
	v18 =	vxor.u32 v4, v25;
	v23 =	vld [tilespmem:s31+$0x0];
	s19 =	spop (v2sf);
	(v2sf) =	vpush v12, $0x7  }
0x79: {  	v7 =	vadd.s32 v18, v7;
	v24 =	vld [tilespmem:s18+$0x0];
	s20 =	spop (v2sf);
	(v2sf) =	vpush v13, $0x7  }
0x7a: {  	v18 =	vxor.u32 v3, v26;
	v27 =	vxor.u32 v20, v27;
	v25 =	vld [tilespmem:s19+$0x0];
	s21 =	spop (v2sf);
	(v2sf) =	vpush v11, $0x7  }
0x7b: {  	v18 =	vadd.s32 v18, v7;
	v7 =	vxor.u32 v20, v28;
	v26 =	vld [tilespmem:s20+$0x0];
	s22 =	spop (v2sf);
	(v2sf) =	vpush v12, $0x8  }
0x7c: {  	v20 =	vxor.u32 v20, v21;
	v29 =	vld [tilespmem:s21+$0x0];
	v22 =	vxor.u32 v19, v22;
	s23 =	spop (v2sf);
	(v2sf) =	vpush v13, $0x8  }
0x7d: {  	v21 =	vld [tilespmem:s22+$0x0];
	v23 =	vxor.u32 v19, v23;
	v22 =	vadd.s32 v27, v22;
	s24 =	spop (v2sf);
	(v2sf) =	vpush v11, $0x8  }
0x7e: {  	v28 =	vld [tilespmem:s23+$0x0];
	v23 =	vadd.s32 v7, v23;
	v7 =	vimm.s32 $0x0;
	v19 =	vxor.u32 v19, v24  }
0x7f: {  	v27 =	vld [tilespmem:s24+$0x0];
	s25 =	spop (v2sf);
	(v2sf) =	vpush v12, $0x9;
	v19 =	vadd.s32 v20, v19;
	v20 =	vxor.u32 v17, v25  }
0x80: {  	v24 =	vld [tilespmem:s25+$0x0];
	s26 =	spop (v2sf);
	(v2sf) =	vpush v13, $0x9;
	v20 =	vadd.s32 v20, v22;
	v22 =	vxor.u32 v17, v26  }
0x81: {  	v25 =	vld [tilespmem:s26+$0x0];
	s28 =	spop (v2sf);
	(v2sf) =	vpush v11, $0x9;
	v22 =	vadd.s32 v22, v23;
	v17 =	vxor.u32 v17, v29  }
0x82: {  	v29 =	vshrl.u32 v18, $0x10;
	v26 =	vld [tilespmem:s28+$0x0];
	s29 =	spop (v2sf);
	(v2sf) =	vpush v12, $0xA;
	v17 =	vadd.s32 v17, v19  }
0x83: {  	v19 =	vxor.u32 v5, v21;
	v29 =	vand.u32 $0xFF, v29;
	v23 =	vld [tilespmem:s29+$0x0];
	s30 =	spop (v2sf);
	(v2sf) =	vpush v13, $0xA  }
0x84: {  	v19 =	vadd.s32 v19, v20;
	v20 =	vxor.u32 v5, v28;
	v21 =	vld [tilespmem:s30+$0x0];
	s31 =	spop (v2sf);
	(v2sf) =	vpush v11, $0xA  }
0x85: {  	v20 =	vadd.s32 v20, v22;
	v5 =	vxor.u32 v5, v27;
	v28 =	vld [tilespmem:s31+$0x0];
	s18 =	spop (v2sf);
	(v2sf) =	vpush v12, $0xB  }
0x86: {  	v17 =	vadd.s32 v5, v17;
	v24 =	vxor.u32 v16, v24;
	v22 =	vld [tilespmem:s18+$0x0];
	s19 =	spop (v2sf);
	(v2sf) =	vpush v13, $0xB  }
0x87: {  	v19 =	vadd.s32 v24, v19;
	v25 =	vxor.u32 v16, v25;
	v27 =	vld [tilespmem:s19+$0x0];
	s20 =	spop (v2sf);
	(v2sf) =	vpush v11, $0xB  }
0x88: {  	v16 =	vxor.u32 v16, v26;
	v20 =	vadd.s32 v25, v20;
	v30 =	vld [tilespmem:s20+$0x0];
	s21 =	spop (v2sf);
	(v2sf) =	vpush v12, $0xC  }
0x89: {  	v16 =	vadd.s32 v16, v17;
	v17 =	vxor.u32 v15, v23;
	v24 =	vld [tilespmem:s21+$0x0];
	s22 =	spop (v2sf);
	(v2sf) =	vpush v13, $0xC  }
0x8a: {  	v17 =	vadd.s32 v17, v19;
	v19 =	vxor.u32 v15, v21;
	v26 =	vld [tilespmem:s22+$0x0];
	s23 =	spop (v2sf);
	(v2sf) =	vpush v11, $0xC  }
0x8b: {  	v5 =	vadd.s32 v7, v29;
	v19 =	vadd.s32 v19, v20;
	v23 =	vld [tilespmem:s23+$0x0];
	s24 =	spop (v2sf)  }
0x8c: {  	v15 =	vxor.u32 v15, v28;
	(v2sf) =	vpush v12, $0xD;
	v20 =	vxor.u32 v14, v22;
	v21 =	vld [tilespmem:s24+$0x0];
	s25 =	spop (v2sf)  }
0x8d: {  	v15 =	vadd.s32 v15, v16;
	v16 =	vadd.s32 v20, v17;
	v17 =	vxor.u32 v14, v27;
	v22 =	vld [tilespmem:s25+$0x0];
	s26 =	spop (v2sf)  }
0x8e: {  	(v2sf) =	vpush v13, $0xD;
	v17 =	vadd.s32 v17, v19;
	v14 =	vxor.u32 v14, v30;
	v20 =	vld [tilespmem:s26+$0x0];
	s28 =	spop (v2sf)  }
0x8f: {  	(v2sf) =	vpush v11, $0xD;
	v14 =	vadd.s32 v14, v15;
	v15 =	vxor.u32 v10, v24;
	v19 =	vld [tilespmem:s28+$0x0];
	s29 =	spop (v2sf)  }
0x90: {  	(v2sf) =	vpush v12, $0xE;
	v15 =	vadd.s32 v15, v16;
	v16 =	vxor.u32 v10, v26;
	v24 =	vld [tilespmem:s29+$0x0];
	s30 =	spop (v2sf)  }
0x91: {  	(v2sf) =	vpush v13, $0xE;
	v16 =	vadd.s32 v16, v17;
	v10 =	vxor.u32 v10, v23;
	v25 =	vld [tilespmem:s30+$0x0];
	s31 =	spop (v2sf)  }
0x92: {  	(v2sf) =	vpush v11, $0xE;
	v10 =	vadd.s32 v10, v14;
	v14 =	vxor.u32 v2, v21;
	v17 =	vld [tilespmem:s31+$0x0];
	s18 =	spop (v2sf)  }
0x93: {  	v21 =	vld [tilespmem:s18+$0x0];
	s19 =	spop (v2sf);
	(v2sf) =	vpush v12, $0xF;
	v12 =	vadd.s32 v14, v15;
	v14 =	vxor.u32 v2, v22  }
0x94: {  	v2 =	vxor.u32 v2, v20;
	v20 =	vand.u32 $0xFF, v18;
	v15 =	vld [tilespmem:s19+$0x0];
	s20 =	spop (v2sf);
	(v2sf) =	vpush v13, $0xF  }
0x95: {  	v13 =	vadd.s32 v14, v16;
	v2 =	vadd.s32 v2, v10;
	v10 =	vxor.u32 v1, v19;
	v14 =	vld [tilespmem:s20+$0x0];
	s21 =	spop (v2sf)  }
0x96: {  	v16 =	vshrl.u32 v18, $0x8;
	v18 =	vshrl.u32 v18, $0x18;
	(v2sf) =	vpush v11, $0xF;
	v11 =	vld [tilespmem:s21+$0x0];
	s22 =	spop (v2sf)  }
0x97: {  	v10 =	vadd.s32 v10, v12;
	v12 =	vxor.u32 v1, v24;
	v1 =	vxor.u32 v1, v25;
	v19 =	vld [tilespmem:s22+$0x0];
	s23 =	spop (v2sf)  }
0x98: {  	v12 =	vadd.s32 v12, v13;
	v22 =	vadd.s32 v1, v2;
	v1 =	vxor.u32 v0, v17;
	v13 =	vld [tilespmem:s23+$0x0];
	s24 =	spop (v2sf)  }
0x99: {  	v16 =	vand.u32 $0xFF, v16;
	v10 =	vadd.s32 v1, v10;
	v1 =	vxor.u32 v0, v21;
	v17 =	vld [tilespmem:s24+$0x0];
	s25 =	spop (v2sf)  }
0x9a: {  	v2 =	vadd.s32 v7, v16;
	v12 =	vadd.s32 v1, v12;
	v0 =	vxor.u32 v0, v15;
	v21 =	vld [tilespmem:s25+$0x0]  }
0x9b: {  	v1 =	vadd.s32 v7, v20;
	v15 =	vadd.s32 v0, v22;
	v14 =	vxor.u32 v9, v14  }
0x9c: {  	s26 =	spop (v2sf);
	v0 =	vadd.s32 v7, v18;
	v18 =	vimm.s32 $0x0;
	v11 =	vxor.u32 v9, v11  }
0x9d: {  	v16 =	vld [tilespmem:s26+$0x0];
	v10 =	vadd.s32 v14, v10;
	v14 =	vimm.s32 $0x0;
	v9 =	vxor.u32 v9, v19  }
0x9e: {  	s28 =	spop (v2sf);
	v11 =	vadd.s32 v11, v12;
	v9 =	vadd.s32 v9, v15;
	v12 =	vxor.u32 v8, v13  }
0x9f: {  	s29 =	spop (v2sf);
	v15 =	vimm.s32 $0x0;
	v13 =	vxor.u32 v8, v17;
	v8 =	vxor.u32 v8, v21;
	v21 =	vld [tilespmem:s28+$0x0]  }
0xa0: {  	v22 =	vld [tilespmem:s29+$0x0];
	s30 =	spop (v2sf);
	v27 =	vadd.s32 v12, v10;
	v17 =	vimm.s32 $0x0;
	v12 =	vimm.s32 $0x0  }
0xa1: {  	v23 =	vld [tilespmem:s30+$0x0];
	s31 =	spop (v2sf);
	v10 =	vimm.s32 $0x0;
	v26 =	vadd.s32 v13, v11;
	v11 =	vimm.s32 $0x0  }
0xa2: {  	s19 =	simm.s32 $0x410;
	v24 =	vld [tilespmem:s31+$0x0];
	s18 =	spop (v2sf);
	v13 =	vimm.s32 $0x0;
	v25 =	vadd.s32 v8, v9;
	v28 =	vxor.u32 v6, v16  }
0xa3: {  	s17 =	simm.s32 $0x1080;
	v19 =	vld [tilespmem:s19+$0x1800];
	v16 =	vimm.s32 $0x0;
	v8 =	vimm.s32 $0x0;
	v9 =	vimm.s32 $0x0;
	s20 =	spop (v2sf)  }
.LBB2_5:
0xa4: {  	p0 =	sne.s32 s17, $0x1FC0;
	v20 =	vld [tilespmem:s19+$0xC00];
	v27 =	vadd.s32 v28, v27;
	v21 =	vxor.u32 v6, v21;
	s21 =	spop (v2sf)  }
0xa5: {  	v28 =	vld [tilespmem:s19+$0x1000];
	v21 =	vadd.s32 v21, v26;
	v6 =	vxor.u32 v6, v22;
	s22 =	spop (v2sf)  }
0xa6: {  	v22 =	vld [tilespmem:s19+$0x1400];
	v26 =	vadd.s32 v6, v25;
	v6 =	vxor.u32 v4, v23  }
0xa7: {  	v27 =	vadd.s32 v6, v27;
	v6 =	vxor.u32 v4, v24;
	v24 =	vld [tilespmem:s18+$0x0]  }
0xa8: {  	v19 =	vshll.u32 v19, $0x6;
	v29 =	vadd.s32 v6, v21;
	v21 =	vld [tilespmem:s20+$0x0]  }
0xa9: {  	v6 =	vshll.u32 v20, $0x6;
	v19 =	vshra.s32 v19, $0x2;
	v30 =	vld [tilespmem:s21+$0x0]  }
0xaa: {  	s16 =	sadd.s32 $0x100, s16;
	v6 =	vshra.s32 v6, $0x2;
	v20 =	vshll.u32 v28, $0x6;
	v33 =	vadd.s32 $0x6000, v19;
	v28 =	vld [tilespmem:s22+$0x0]  }
0xab: {  	v19 =	vshra.s32 v20, $0x2;
	v20 =	vshll.u32 v22, $0x6;
	v31 =	vld [tilespmem:s16+$0x70];
	(v2sf) =	vpush v33, $0x0  }
0xac: {  	v25 =	vadd.s32 $0x6000, v6;
	v6 =	vshra.s32 v20, $0x2;
	v32 =	vld [tilespmem:s16+$0x60];
	(v2sf) =	vpush v33, $0x1  }
0xad: {  	v23 =	vadd.s32 $0x6000, v19;
	v22 =	vadd.s32 $0x6000, v6;
	v6 =	vld [tilespmem:s16+$0x50];
	(v2sf) =	vpush v33, $0x2  }
0xae: {  	v4 =	vxor.u32 v4, v24;
	v24 =	vxor.u32 v3, v21;
	v19 =	vld [tilespmem:s16+$0x40];
	(v2sf) =	vpush v33, $0x3  }
0xaf: {  	v35 =	vadd.s32 v4, v26;
	v26 =	vxor.u32 v3, v30;
	v20 =	vld [tilespmem:s16+$0x30];
	(v2sf) =	vpush v33, $0x4  }
0xb0: {  	v34 =	vadd.s32 v24, v27;
	v27 =	vxor.u32 v3, v28;
	v21 =	vld [tilespmem:s16+$0x20];
	(v2sf) =	vpush v33, $0x5;
	v3 =	vmovc v31  }
0xb1: {  	v36 =	vadd.s32 v26, v29;
	v37 =	vadd.s32 v27, v35;
	v24 =	vld [tilespmem:s16+$0x10];
	(v2sf) =	vpush v33, $0x6;
	v4 =	vmovc v32  }
0xb2: {  	v30 =	vshrl.u32 v34, $0x8;
	v31 =	vshrl.u32 v34, $0x10;
	v26 =	vld [tilespmem:s16+$0x0];
	(v2sf) =	vpush v33, $0x7  }
0xb3: {  	v35 =	vshrl.u32 v36, $0x10;
	v32 =	vshrl.u32 v36, $0x8;
	v27 =	vld [tilespmem:s16+$0xFFFFFFF0];
	(v2sf) =	vpush v33, $0x8  }
0xb4: {  	v38 =	vshrl.u32 v37, $0x8;
	v39 =	vshrl.u32 v37, $0x10;
	v28 =	vld [tilespmem:s16+$0xFFFFFFE0];
	(v2sf) =	vpush v33, $0x9  }
0xb5: {  	v40 =	vand.u32 $0xFF, v30;
	v41 =	vand.u32 $0xFF, v31;
	v29 =	vld [tilespmem:s16+$0xFFFFFFD0];
	(v2sf) =	vpush v33, $0xA  }
0xb6: {  	v43 =	vand.u32 $0xFF, v35;
	v42 =	vand.u32 $0xFF, v32;
	v30 =	vld [tilespmem:s16+$0xFFFFFFC0];
	(v2sf) =	vpush v33, $0xB  }
0xb7: {  	v38 =	vand.u32 $0xFF, v38;
	v39 =	vand.u32 $0xFF, v39;
	v31 =	vld [tilespmem:s16+$0xFFFFFFB0];
	(v2sf) =	vpush v33, $0xC  }
0xb8: {  	v44 =	vand.u32 $0xFF, v34;
	v45 =	vshrl.u32 v34, $0x18;
	v32 =	vld [tilespmem:s16+$0xFFFFFFA0];
	(v2sf) =	vpush v33, $0xD  }
0xb9: {  	v46 =	vand.u32 $0xFF, v36;
	v36 =	vshrl.u32 v36, $0x18;
	v35 =	vld [tilespmem:s16+$0xFFFFFF80];
	(v2sf) =	vpush v33, $0xE  }
0xba: {  	v34 =	vld [tilespmem:s16+$0xFFFFFF90];
	s18 =	spop (v2sf);
	(v2sf) =	vpush v33, $0xF;
	v33 =	vand.u32 $0xFF, v37;
	v37 =	vshrl.u32 v37, $0x18  }
0xbb: {  	v7 =	vadd.s32 v7, v40;
	v18 =	vadd.s32 v18, v41;
	v47 =	vld [tilespmem:s18+$0x0];
	(v2sf) =	vpush v25, $0x0;
	s18 =	spop (v2sf)  }
0xbc: {  	v17 =	vadd.s32 v17, v43;
	v16 =	vadd.s32 v16, v42;
	v40 =	vld [tilespmem:s18+$0x0];
	(v2sf) =	vpush v23, $0x0;
	s18 =	spop (v2sf)  }
0xbd: {  	v15 =	vadd.s32 v15, v38;
	v11 =	vadd.s32 v11, v39;
	v41 =	vld [tilespmem:s18+$0x0];
	(v2sf) =	vpush v22, $0x0;
	s18 =	spop (v2sf)  }
0xbe: {  	v12 =	vadd.s32 v12, v44;
	v13 =	vadd.s32 v13, v45;
	v38 =	vld [tilespmem:s18+$0x0];
	(v2sf) =	vpush v25, $0x1;
	s18 =	spop (v2sf)  }
0xbf: {  	v8 =	vadd.s32 v8, v46;
	v14 =	vadd.s32 v14, v36;
	v39 =	vld [tilespmem:s18+$0x0];
	(v2sf) =	vpush v23, $0x1;
	s18 =	spop (v2sf)  }
0xc0: {  	v9 =	vadd.s32 v9, v33;
	v10 =	vadd.s32 v10, v37;
	v36 =	vld [tilespmem:s18+$0x0];
	(v2sf) =	vpush v22, $0x1;
	s18 =	spop (v2sf)  }
0xc1: {  	v33 =	vxor.u32 v35, v47;
	v37 =	vxor.u32 v34, v40;
	v40 =	vld [tilespmem:s18+$0x0];
	(v2sf) =	vpush v25, $0x2;
	s18 =	spop (v2sf)  }
0xc2: {  	v33 =	vadd.s32 v33, v37;
	v37 =	vxor.u32 v32, v41;
	v41 =	vld [tilespmem:s18+$0x0];
	(v2sf) =	vpush v23, $0x2;
	s18 =	spop (v2sf)  }
0xc3: {  	v33 =	vadd.s32 v37, v33;
	v37 =	vxor.u32 v31, v38;
	v38 =	vld [tilespmem:s18+$0x0];
	(v2sf) =	vpush v22, $0x2;
	s18 =	spop (v2sf)  }
0xc4: {  	v33 =	vadd.s32 v37, v33;
	v37 =	vxor.u32 v30, v39;
	v39 =	vld [tilespmem:s18+$0x0];
	(v2sf) =	vpush v25, $0x3;
	s18 =	spop (v2sf)  }
0xc5: {  	v33 =	vadd.s32 v37, v33;
	v36 =	vxor.u32 v29, v36;
	v37 =	vld [tilespmem:s18+$0x0];
	(v2sf) =	vpush v23, $0x3;
	s18 =	spop (v2sf)  }
0xc6: {  	v33 =	vadd.s32 v36, v33;
	v36 =	vxor.u32 v28, v40;
	v40 =	vld [tilespmem:s18+$0x0];
	(v2sf) =	vpush v22, $0x3;
	s18 =	spop (v2sf)  }
0xc7: {  	v33 =	vadd.s32 v36, v33;
	v36 =	vxor.u32 v27, v41;
	v41 =	vld [tilespmem:s18+$0x0];
	(v2sf) =	vpush v25, $0x4;
	s18 =	spop (v2sf)  }
0xc8: {  	v33 =	vadd.s32 v36, v33;
	v36 =	vxor.u32 v26, v38;
	v38 =	vld [tilespmem:s18+$0x0];
	(v2sf) =	vpush v23, $0x4;
	s18 =	spop (v2sf)  }
0xc9: {  	v33 =	vadd.s32 v36, v33;
	v36 =	vxor.u32 v24, v39;
	v39 =	vld [tilespmem:s18+$0x0];
	(v2sf) =	vpush v22, $0x4;
	s18 =	spop (v2sf)  }
0xca: {  	v33 =	vadd.s32 v36, v33;
	v36 =	vxor.u32 v21, v37;
	v37 =	vld [tilespmem:s18+$0x0];
	s18 =	spop (v2sf);
	(v2sf) =	vpush v25, $0x5  }
0xcb: {  	v42 =	vld [tilespmem:s18+$0x0];
	v33 =	vadd.s32 v36, v33;
	v36 =	vxor.u32 v20, v40;
	s18 =	spop (v2sf);
	(v2sf) =	vpush v23, $0x5  }
0xcc: {  	v40 =	vld [tilespmem:s18+$0x0];
	v33 =	vadd.s32 v36, v33;
	v36 =	vxor.u32 v19, v41;
	s18 =	spop (v2sf);
	(v2sf) =	vpush v22, $0x5  }
0xcd: {  	v41 =	vld [tilespmem:s18+$0x0];
	v33 =	vadd.s32 v36, v33;
	v36 =	vxor.u32 v6, v38;
	s18 =	spop (v2sf);
	(v2sf) =	vpush v25, $0x6  }
0xce: {  	v38 =	vld [tilespmem:s18+$0x0];
	v33 =	vadd.s32 v36, v33;
	v36 =	vxor.u32 v4, v39;
	s18 =	spop (v2sf);
	(v2sf) =	vpush v23, $0x6  }
0xcf: {  	v39 =	vld [tilespmem:s18+$0x0];
	v33 =	vadd.s32 v36, v33;
	v36 =	vxor.u32 v3, v37;
	s18 =	spop (v2sf);
	(v2sf) =	vpush v22, $0x6  }
0xd0: {  	v37 =	vxor.u32 v35, v42;
	v42 =	vld [tilespmem:s18+$0x0];
	v33 =	vadd.s32 v36, v33;
	s18 =	spop (v2sf);
	(v2sf) =	vpush v25, $0x7  }
0xd1: {  	v36 =	vxor.u32 v35, v40;
	v40 =	vld [tilespmem:s18+$0x0];
	v43 =	vshrl.u32 v33, $0x10;
	s18 =	spop (v2sf);
	(v2sf) =	vpush v23, $0x7  }
0xd2: {  	v35 =	vxor.u32 v35, v41;
	v41 =	vld [tilespmem:s18+$0x0];
	v43 =	vand.u32 $0xFF, v43;
	s18 =	spop (v2sf);
	(v2sf) =	vpush v22, $0x7  }
0xd3: {  	v38 =	vxor.u32 v34, v38;
	v44 =	vld [tilespmem:s18+$0x0];
	v5 =	vadd.s32 v5, v43;
	s18 =	spop (v2sf);
	(v2sf) =	vpush v25, $0x8  }
0xd4: {  	v37 =	vadd.s32 v37, v38;
	v38 =	vxor.u32 v34, v39;
	v39 =	vld [tilespmem:s18+$0x0];
	s18 =	spop (v2sf);
	(v2sf) =	vpush v23, $0x8  }
0xd5: {  	v36 =	vadd.s32 v36, v38;
	v34 =	vxor.u32 v34, v42;
	v38 =	vld [tilespmem:s18+$0x0];
	s18 =	spop (v2sf);
	(v2sf) =	vpush v22, $0x8  }
0xd6: {  	v34 =	vadd.s32 v35, v34;
	v35 =	vxor.u32 v32, v40;
	v40 =	vld [tilespmem:s18+$0x0];
	s18 =	spop (v2sf);
	(v2sf) =	vpush v25, $0x9  }
0xd7: {  	v35 =	vadd.s32 v35, v37;
	v37 =	vxor.u32 v32, v41;
	v41 =	vld [tilespmem:s18+$0x0];
	s18 =	spop (v2sf);
	(v2sf) =	vpush v23, $0x9  }
0xd8: {  	v36 =	vadd.s32 v37, v36;
	v32 =	vxor.u32 v32, v44;
	v37 =	vld [tilespmem:s18+$0x0];
	s18 =	spop (v2sf);
	(v2sf) =	vpush v22, $0x9  }
0xd9: {  	v32 =	vadd.s32 v32, v34;
	v34 =	vxor.u32 v31, v39;
	v39 =	vld [tilespmem:s18+$0x0];
	s18 =	spop (v2sf);
	(v2sf) =	vpush v25, $0xA  }
0xda: {  	v34 =	vadd.s32 v34, v35;
	v35 =	vxor.u32 v31, v38;
	v38 =	vld [tilespmem:s18+$0x0];
	s18 =	spop (v2sf);
	(v2sf) =	vpush v23, $0xA  }
0xdb: {  	v35 =	vadd.s32 v35, v36;
	v31 =	vxor.u32 v31, v40;
	v36 =	vld [tilespmem:s18+$0x0];
	s18 =	spop (v2sf);
	(v2sf) =	vpush v22, $0xA  }
0xdc: {  	v31 =	vadd.s32 v31, v32;
	v32 =	vxor.u32 v30, v41;
	v40 =	vld [tilespmem:s18+$0x0];
	s18 =	spop (v2sf);
	(v2sf) =	vpush v25, $0xB  }
0xdd: {  	v32 =	vadd.s32 v32, v34;
	v34 =	vxor.u32 v30, v37;
	v37 =	vld [tilespmem:s18+$0x0];
	s18 =	spop (v2sf);
	(v2sf) =	vpush v23, $0xB  }
0xde: {  	v34 =	vadd.s32 v34, v35;
	v30 =	vxor.u32 v30, v39;
	v35 =	vld [tilespmem:s18+$0x0];
	s18 =	spop (v2sf);
	(v2sf) =	vpush v22, $0xB  }
0xdf: {  	v30 =	vadd.s32 v30, v31;
	v31 =	vxor.u32 v29, v38;
	v38 =	vld [tilespmem:s18+$0x0];
	s18 =	spop (v2sf);
	(v2sf) =	vpush v25, $0xC  }
0xe0: {  	v31 =	vadd.s32 v31, v32;
	v32 =	vxor.u32 v29, v36;
	v36 =	vld [tilespmem:s18+$0x0];
	s18 =	spop (v2sf);
	(v2sf) =	vpush v23, $0xC  }
0xe1: {  	v32 =	vadd.s32 v32, v34;
	v29 =	vxor.u32 v29, v40;
	v34 =	vld [tilespmem:s18+$0x0];
	s18 =	spop (v2sf);
	(v2sf) =	vpush v22, $0xC  }
0xe2: {  	v29 =	vadd.s32 v29, v30;
	v30 =	vxor.u32 v28, v37;
	v37 =	vld [tilespmem:s18+$0x0];
	s18 =	spop (v2sf);
	(v2sf) =	vpush v25, $0xD  }
0xe3: {  	v30 =	vadd.s32 v30, v31;
	v31 =	vxor.u32 v28, v35;
	v35 =	vld [tilespmem:s18+$0x0];
	s18 =	spop (v2sf);
	(v2sf) =	vpush v23, $0xD  }
0xe4: {  	v31 =	vadd.s32 v31, v32;
	v28 =	vxor.u32 v28, v38;
	v32 =	vld [tilespmem:s18+$0x0];
	s18 =	spop (v2sf);
	(v2sf) =	vpush v22, $0xD  }
0xe5: {  	v28 =	vadd.s32 v28, v29;
	v29 =	vxor.u32 v27, v36;
	v36 =	vld [tilespmem:s18+$0x0];
	s18 =	spop (v2sf);
	(v2sf) =	vpush v25, $0xE  }
0xe6: {  	v29 =	vadd.s32 v29, v30;
	v30 =	vxor.u32 v27, v34;
	v34 =	vld [tilespmem:s18+$0x0];
	s18 =	spop (v2sf);
	(v2sf) =	vpush v23, $0xE  }
0xe7: {  	v30 =	vadd.s32 v30, v31;
	v27 =	vxor.u32 v27, v37;
	v31 =	vld [tilespmem:s18+$0x0];
	s18 =	spop (v2sf);
	(v2sf) =	vpush v22, $0xE  }
0xe8: {  	v27 =	vadd.s32 v27, v28;
	v28 =	vxor.u32 v26, v35;
	v35 =	vld [tilespmem:s18+$0x0];
	s18 =	spop (v2sf);
	(v2sf) =	vpush v25, $0xF  }
0xe9: {  	v25 =	vadd.s32 v28, v29;
	v28 =	vxor.u32 v26, v32;
	v29 =	vld [tilespmem:s18+$0x0];
	s18 =	spop (v2sf);
	(v2sf) =	vpush v23, $0xF  }
0xea: {  	v23 =	vadd.s32 v28, v30;
	v26 =	vxor.u32 v26, v36;
	v28 =	vld [tilespmem:s18+$0x0];
	s18 =	spop (v2sf);
	(v2sf) =	vpush v22, $0xF  }
0xeb: {  	v30 =	vshrl.u32 v33, $0x8;
	v22 =	vadd.s32 v26, v27;
	v26 =	vxor.u32 v24, v34;
	v27 =	vld [tilespmem:s18+$0x0];
	s18 =	spop (v2sf)  }
0xec: {  	v30 =	vand.u32 $0xFF, v30;
	v25 =	vadd.s32 v26, v25;
	v26 =	vxor.u32 v24, v31;
	v31 =	vld [tilespmem:s18+$0x0];
	s18 =	spop (v2sf)  }
0xed: {  	v32 =	vand.u32 $0xFF, v33;
	v23 =	vadd.s32 v26, v23;
	v24 =	vxor.u32 v24, v35;
	v26 =	vld [tilespmem:s18+$0x0];
	s18 =	spop (v2sf)  }
0xee: {  	v33 =	vshrl.u32 v33, $0x18;
	v22 =	vadd.s32 v24, v22;
	v24 =	vxor.u32 v21, v29;
	v29 =	vld [tilespmem:s18+$0x0];
	s18 =	spop (v2sf)  }
0xef: {  	v2 =	vadd.s32 v2, v30;
	v24 =	vadd.s32 v24, v25;
	v25 =	vxor.u32 v21, v28;
	v28 =	vld [tilespmem:s18+$0x0];
	s18 =	spop (v2sf)  }
0xf0: {  	v1 =	vadd.s32 v1, v32;
	v23 =	vadd.s32 v25, v23;
	v21 =	vxor.u32 v21, v27;
	v25 =	vld [tilespmem:s18+$0x0];
	s18 =	spop (v2sf)  }
0xf1: {  	v0 =	vadd.s32 v0, v33;
	v22 =	vadd.s32 v21, v22;
	v21 =	vxor.u32 v20, v31;
	v30 =	vld [tilespmem:s18+$0x0];
	s18 =	spop (v2sf)  }
0xf2: {  	v24 =	vadd.s32 v21, v24;
	v21 =	vxor.u32 v20, v26;
	v31 =	vld [tilespmem:s18+$0x0];
	s18 =	spop (v2sf)  }
.Ltmp1:
0xf3: {  	v26 =	vadd.s32 v21, v23;
	v20 =	vxor.u32 v20, v29;
	v21 =	vld [tilespmem:s18+$0x0];
	s18 =	spop (v2sf);
	(pc) =	sbr.rel @p0 .LBB2_5-.Ltmp1, $4  }
0xf4: {  	v20 =	vadd.s32 v20, v22;
	v23 =	vxor.u32 v19, v28;
	v22 =	vld [tilespmem:s18+$0x0];
	s18 =	spop (v2sf)  }
0xf5: {  	v27 =	vadd.s32 v23, v24;
	v24 =	vxor.u32 v19, v25;
	v23 =	vld [tilespmem:s18+$0x0];
	s18 =	spop (v2sf)  }
0xf6: {  	s19 =	sshra.s32 s17, $0x2;
	v26 =	vadd.s32 v24, v26;
	v25 =	vxor.u32 v19, v30;
	v24 =	vld [tilespmem:s18+$0x0];
	s18 =	spop (v2sf)  }
0xf7: {  	s17 =	sadd.s32 $0x40, s17;
	v19 =	vld [tilespmem:s19+$0x1800];
	v25 =	vadd.s32 v25, v20;
	v28 =	vxor.u32 v6, v31;
	s20 =	spop (v2sf)  }
0xf8: {  	v29 =	vld [tilespmem:s19+$0xC00]  }
0xf9: {  	v30 =	vld [tilespmem:s19+$0x1000]  }
0xfa: {  	v31 =	vld [tilespmem:s19+$0x1400]  }
0xfb: {  	v32 =	vld [tilespmem:s18+$0x0];
	v54 =	vxor.u32 v6, v21;
	v22 =	vxor.u32 v6, v22  }
0xfc: {  	v33 =	vld [tilespmem:s20+$0x0];
	v27 =	vadd.s32 v28, v27;
	v26 =	vadd.s32 v54, v26;
	v36 =	vadd.s32 v22, v25  }
0xfd: {  	s17 =	spop (v2sf);
	v23 =	vxor.u32 v4, v23;
	v24 =	vxor.u32 v4, v24;
	v19 =	vshll.u32 v19, $0x6  }
0xfe: {  	s16 =	sadd.s32 $0x100, s16;
	v34 =	vld [tilespmem:s17+$0x0];
	v38 =	vadd.s32 v23, v27;
	v39 =	vadd.s32 v24, v26;
	v19 =	vshra.s32 v19, $0x2  }
0xff: {  	v20 =	vld [tilespmem:s16+$0x60];
	v55 =	vshll.u32 v29, $0x6;
	v57 =	vshll.u32 v30, $0x6;
	v37 =	vadd.s32 $0x6000, v19  }
0x100: {  	s21 =	spop (v2sf);
	v21 =	vld [tilespmem:s16+$0x50];
	v59 =	vshll.u32 v31, $0x6;
	v60 =	vxor.u32 v4, v32;
	(v2sf) =	vpush v37, $0x0  }
0x101: {  	v35 =	vld [tilespmem:s21+$0x0];
	v40 =	vxor.u32 v3, v33;
	v56 =	vshra.s32 v55, $0x2;
	(v2sf) =	vpush v37, $0x1  }
0x102: {  	v6 =	vld [tilespmem:s16+$0x40];
	v58 =	vshra.s32 v57, $0x2;
	v31 =	vshra.s32 v59, $0x2;
	(v2sf) =	vpush v37, $0x2  }
0x103: {  	v22 =	vld [tilespmem:s16+$0x30];
	v4 =	vadd.s32 v60, v36;
	v61 =	vxor.u32 v3, v34;
	(v2sf) =	vpush v37, $0x3  }
0x104: {  	v25 =	vld [tilespmem:s16+$0x0];
	v38 =	vadd.s32 v40, v38;
	v30 =	vadd.s32 $0x6000, v56;
	(v2sf) =	vpush v37, $0x4  }
0x105: {  	v23 =	vld [tilespmem:s16+$0x20];
	v29 =	vadd.s32 $0x6000, v58;
	v28 =	vadd.s32 $0x6000, v31;
	(v2sf) =	vpush v37, $0x5  }
0x106: {  	v27 =	vld [tilespmem:s16+$0xFFFFFFE0];
	v62 =	vxor.u32 v3, v35;
	v39 =	vadd.s32 v61, v39;
	(v2sf) =	vpush v37, $0x6  }
0x107: {  	v24 =	vld [tilespmem:s16+$0x10];
	v51 =	vshrl.u32 v38, $0x8;
	v52 =	vshrl.u32 v38, $0x10;
	(v2sf) =	vpush v37, $0x7  }
0x108: {  	v26 =	vld [tilespmem:s16+$0xFFFFFFF0];
	v49 =	vand.u32 $0xFF, v38;
	v38 =	vshrl.u32 v38, $0x18;
	(v2sf) =	vpush v37, $0x8  }
0x109: {  	v32 =	vld [tilespmem:s16+$0xFFFFFFC0];
	v63 =	vadd.s32 v62, v4;
	v53 =	vshrl.u32 v39, $0x8;
	(v2sf) =	vpush v37, $0x9  }
0x10a: {  	v33 =	vld [tilespmem:s16+$0xFFFFFFB0];
	v41 =	vshrl.u32 v39, $0x10;
	v3 =	vand.u32 $0xFF, v51;
	(v2sf) =	vpush v37, $0xA  }
0x10b: {  	v19 =	vld [tilespmem:s16+$0x70];
	v4 =	vand.u32 $0xFF, v52;
	v51 =	vand.u32 $0xFF, v39;
	(v2sf) =	vpush v37, $0xB  }
0x10c: {  	v34 =	vld [tilespmem:s16+$0xFFFFFFA0];
	v39 =	vshrl.u32 v39, $0x18;
	v43 =	vshrl.u32 v63, $0x8;
	(v2sf) =	vpush v37, $0xC  }
0x10d: {  	v36 =	vld [tilespmem:s16+$0xFFFFFF80];
	v44 =	vshrl.u32 v63, $0x10;
	v41 =	vand.u32 $0xFF, v41;
	(v2sf) =	vpush v37, $0xD  }
0x10e: {  	v31 =	vld [tilespmem:s16+$0xFFFFFFD0];
	v3 =	vadd.s32 v7, v3;
	v4 =	vadd.s32 v18, v4;
	(v2sf) =	vpush v37, $0xE  }
0x10f: {  	v35 =	vld [tilespmem:s16+$0xFFFFFF90];
	v54 =	vand.u32 $0xFF, v63;
	v40 =	vshrl.u32 v63, $0x18;
	s22 =	spop (v2sf);
	(v2sf) =	vpush v37, $0xF  }
0x110: {  	v8 =	vadd.s32 v8, v51;
	v43 =	vand.u32 $0xFF, v43;
	v42 =	vld [tilespmem:s22+$0x0];
	(v2sf) =	vpush v30, $0x0;
	s23 =	spop (v2sf)  }
0x111: {  	v44 =	vand.u32 $0xFF, v44;
	v37 =	vand.u32 $0xFF, v53;
	v45 =	vld [tilespmem:s23+$0x0];
	(v2sf) =	vpush v29, $0x0;
	s24 =	spop (v2sf)  }
0x112: {  	v11 =	vadd.s32 v11, v44;
	v7 =	vadd.s32 v16, v37;
	v46 =	vld [tilespmem:s24+$0x0];
	(v2sf) =	vpush v28, $0x0;
	s25 =	spop (v2sf)  }
0x113: {  	v16 =	vadd.s32 v17, v41;
	v17 =	vadd.s32 v12, v49;
	v47 =	vld [tilespmem:s25+$0x0];
	(v2sf) =	vpush v30, $0x1;
	s26 =	spop (v2sf)  }
0x114: {  	v12 =	vadd.s32 v13, v38;
	v13 =	vadd.s32 v14, v39;
	v48 =	vld [tilespmem:s26+$0x0];
	(v2sf) =	vpush v29, $0x1;
	s28 =	spop (v2sf)  }
0x115: {  	v14 =	vadd.s32 v9, v54;
	v9 =	vadd.s32 v10, v40;
	v50 =	vld [tilespmem:s28+$0x0];
	(v2sf) =	vpush v28, $0x1;
	s29 =	spop (v2sf)  }
0x116: {  	v56 =	vxor.u32 v36, v42;
	v52 =	vld [tilespmem:s29+$0x0];
	(v2sf) =	vpush v30, $0x2;
	s30 =	spop (v2sf);
	v57 =	vxor.u32 v35, v45  }
0x117: {  	v18 =	vld [tilespmem:s30+$0x0];
	(v2sf) =	vpush v29, $0x2;
	s31 =	spop (v2sf);
	v40 =	vadd.s32 v56, v57;
	v58 =	vxor.u32 v34, v46  }
0x118: {  	v37 =	vld [tilespmem:s31+$0x0];
	(v2sf) =	vpush v28, $0x2;
	s17 =	spop (v2sf);
	v40 =	vadd.s32 v58, v40;
	v59 =	vxor.u32 v33, v47  }
0x119: {  	v55 =	vld [tilespmem:s17+$0x0];
	(v2sf) =	vpush v30, $0x3;
	s18 =	spop (v2sf);
	v40 =	vadd.s32 v59, v40;
	v60 =	vxor.u32 v32, v48  }
0x11a: {  	v44 =	vld [tilespmem:s18+$0x0];
	(v2sf) =	vpush v29, $0x3;
	s19 =	spop (v2sf);
	v40 =	vadd.s32 v60, v40;
	v62 =	vxor.u32 v31, v50  }
0x11b: {  	v38 =	vld [tilespmem:s19+$0x0];
	(v2sf) =	vpush v28, $0x3;
	s20 =	spop (v2sf);
	v40 =	vadd.s32 v62, v40;
	v53 =	vxor.u32 v27, v52  }
0x11c: {  	v39 =	vld [tilespmem:s20+$0x0];
	(v2sf) =	vpush v30, $0x4;
	s21 =	spop (v2sf);
	v40 =	vadd.s32 v53, v40;
	v18 =	vxor.u32 v26, v18  }
0x11d: {  	v10 =	vld [tilespmem:s21+$0x0];
	(v2sf) =	vpush v29, $0x4;
	s22 =	spop (v2sf);
	v18 =	vadd.s32 v18, v40;
	v37 =	vxor.u32 v25, v37  }
0x11e: {  	v42 =	vld [tilespmem:s22+$0x0];
	(v2sf) =	vpush v28, $0x4;
	s23 =	spop (v2sf);
	v18 =	vadd.s32 v37, v18;
	v54 =	vxor.u32 v24, v55  }
0x11f: {  	v45 =	vld [tilespmem:s23+$0x0];
	s24 =	spop (v2sf);
	(v2sf) =	vpush v30, $0x5;
	v18 =	vadd.s32 v54, v18;
	v56 =	vxor.u32 v23, v44  }
0x120: {  	v46 =	vld [tilespmem:s24+$0x0];
	s25 =	spop (v2sf);
	(v2sf) =	vpush v29, $0x5;
	v18 =	vadd.s32 v56, v18;
	v57 =	vxor.u32 v22, v38  }
0x121: {  	v61 =	vld [tilespmem:s25+$0x0];
	s26 =	spop (v2sf);
	(v2sf) =	vpush v28, $0x5;
	v18 =	vadd.s32 v57, v18;
	v58 =	vxor.u32 v6, v39  }
0x122: {  	s28 =	spop (v2sf);
	(v2sf) =	vpush v30, $0x6;
	v18 =	vadd.s32 v58, v18;
	v10 =	vxor.u32 v21, v10  }
0x123: {  	v63 =	vld [tilespmem:s26+$0x0];
	s29 =	spop (v2sf);
	(v2sf) =	vpush v29, $0x6;
	v10 =	vadd.s32 v10, v18;
	v59 =	vxor.u32 v20, v42  }
0x124: {  	v15 =	vadd.s32 v15, v43;
	v49 =	vld [tilespmem:s28+$0x0];
	s30 =	spop (v2sf);
	(v2sf) =	vpush v28, $0x6;
	v10 =	vadd.s32 v59, v10  }
0x125: {  	v41 =	vld [tilespmem:s29+$0x0];
	v60 =	vxor.u32 v19, v45;
	s31 =	spop (v2sf);
	(v2sf) =	vpush v30, $0x7;
	v46 =	vxor.u32 v36, v46  }
0x126: {  	v40 =	vld [tilespmem:s30+$0x0];
	v10 =	vadd.s32 v60, v10;
	s17 =	spop (v2sf);
	(v2sf) =	vpush v29, $0x7;
	v47 =	vxor.u32 v36, v61  }
0x127: {  	v55 =	vld [tilespmem:s31+$0x0];
	v61 =	vshrl.u32 v10, $0x10;
	v43 =	vshrl.u32 v10, $0x8;
	s18 =	spop (v2sf);
	(v2sf) =	vpush v28, $0x7  }
0x128: {  	v44 =	vld [tilespmem:s17+$0x0];
	v36 =	vxor.u32 v36, v63;
	v62 =	vand.u32 $0xFF, v61;
	s19 =	spop (v2sf);
	(v2sf) =	vpush v30, $0x8  }
0x129: {  	v38 =	vld [tilespmem:s18+$0x0];
	v49 =	vxor.u32 v35, v49;
	v5 =	vadd.s32 v5, v62;
	s20 =	spop (v2sf);
	(v2sf) =	vpush v29, $0x8  }
0x12a: {  	v39 =	vld [tilespmem:s19+$0x0];
	v46 =	vadd.s32 v46, v49;
	v41 =	vxor.u32 v35, v41;
	v49 =	vand.u32 $0xFF, v10  }
0x12b: {  	v10 =	vshrl.u32 v10, $0x18;
	v37 =	vld [tilespmem:s20+$0x0];
	s21 =	spop (v2sf);
	(v2sf) =	vpush v28, $0x8;
	v41 =	vadd.s32 v47, v41  }
0x12c: {  	v35 =	vxor.u32 v35, v40;
	v1 =	vadd.s32 v1, v49;
	v42 =	vld [tilespmem:s21+$0x0];
	s22 =	spop (v2sf);
	(v2sf) =	vpush v30, $0x9  }
0x12d: {  	v0 =	vadd.s32 v0, v10;
	v35 =	vadd.s32 v36, v35;
	v45 =	vld [tilespmem:s22+$0x0];
	s23 =	spop (v2sf);
	(v2sf) =	vpush v29, $0x9  }
0x12e: {  	v55 =	vxor.u32 v34, v55;
	v1 =	vshll.u32 v1, $0x1;
	v18 =	vld [tilespmem:s23+$0x0];
	s24 =	spop (v2sf);
	(v2sf) =	vpush v28, $0x9  }
0x12f: {  	v0 =	vshll.u32 v0, $0x1;
	v36 =	vadd.s32 v55, v46;
	v51 =	vld [tilespmem:s24+$0x0];
	s25 =	spop (v2sf);
	(v2sf) =	vpush v30, $0xA  }
0x130: {  	v44 =	vxor.u32 v34, v44;
	v1 =	vsub.s32 $0x3FF, v1;
	v63 =	vld [tilespmem:s25+$0x0];
	s26 =	spop (v2sf);
	(v2sf) =	vpush v29, $0xA  }
0x131: {  	v0 =	vsub.s32 $0x3FF, v0;
	v41 =	vadd.s32 v44, v41;
	v52 =	vld [tilespmem:s26+$0x0];
	s28 =	spop (v2sf);
	(v2sf) =	vpush v28, $0xA  }
0x132: {  	v34 =	vxor.u32 v34, v38;
	v1 =	vcvt.s32.f32 v1;
	v53 =	vld [tilespmem:s28+$0x0];
	s29 =	spop (v2sf);
	(v2sf) =	vpush v30, $0xB  }
0x133: {  	v0 =	vcvt.s32.f32 v0;
	v59 =	vxor.u32 v33, v39;
	v54 =	vld [tilespmem:s29+$0x0];
	s30 =	spop (v2sf);
	(v2sf) =	vpush v29, $0xB  }
0x134: {  	v34 =	vadd.s32 v34, v35;
	v35 =	vadd.s32 v59, v36;
	v56 =	vld [tilespmem:s30+$0x0];
	s31 =	spop (v2sf);
	(v2sf) =	vpush v28, $0xB  }
0x135: {  	v60 =	vxor.u32 v33, v37;
	v1 =	vmin.f32 v1, $1.000000000e+00;
	v57 =	vld [tilespmem:s31+$0x0];
	s17 =	spop (v2sf);
	(v2sf) =	vpush v30, $0xC  }
0x136: {  	v0 =	vmin.f32 v0, $1.000000000e+00;
	v36 =	vadd.s32 v60, v41;
	v58 =	vld [tilespmem:s17+$0x0];
	s18 =	spop (v2sf);
	(v2sf) =	vpush v29, $0xC  }
0x137: {  	v33 =	vxor.u32 v33, v42;
	v1 =	vmax.f32 v1, $-1.000000000e+00;
	v39 =	vld [tilespmem:s18+$0x0];
	s19 =	spop (v2sf);
	(v2sf) =	vpush v28, $0xC  }
0x138: {  	v0 =	vmax.f32 v0, $-1.000000000e+00;
	v61 =	vxor.u32 v32, v45;
	v37 =	vld [tilespmem:s19+$0x0];
	s20 =	spop (v2sf);
	(v2sf) =	vpush v30, $0xD  }
0x139: {  	v33 =	vadd.s32 v33, v34;
	v34 =	vadd.s32 v61, v35;
	v41 =	vld [tilespmem:s20+$0x0];
	s21 =	spop (v2sf);
	(v2sf) =	vpush v29, $0xD  }
0x13a: {  	v18 =	vxor.u32 v32, v18;
	v32 =	vxor.u32 v32, v51;
	v42 =	vld [tilespmem:s21+$0x0];
	s22 =	spop (v2sf);
	(v2sf) =	vpush v28, $0xD  }
0x13b: {  	v18 =	vadd.s32 v18, v36;
	v32 =	vadd.s32 v32, v33;
	v35 =	vld [tilespmem:s22+$0x0];
	s23 =	spop (v2sf);
	(v2sf) =	vpush v30, $0xE  }
0x13c: {  	v62 =	vxor.u32 v31, v63;
	v63 =	vxor.u32 v31, v52;
	v36 =	vld [tilespmem:s23+$0x0];
	s24 =	spop (v2sf);
	(v2sf) =	vpush v29, $0xE  }
0x13d: {  	v33 =	vadd.s32 v62, v34;
	v18 =	vadd.s32 v63, v18;
	v44 =	vld [tilespmem:s24+$0x0];
	s25 =	spop (v2sf);
	(v2sf) =	vpush v28, $0xE  }
0x13e: {  	v50 =	vxor.u32 v31, v53;
	v53 =	vxor.u32 v27, v54;
	v48 =	vld [tilespmem:s25+$0x0];
	s26 =	spop (v2sf);
	(v2sf) =	vpush v30, $0xF  }
0x13f: {  	v52 =	vadd.s32 v50, v32;
	v55 =	vadd.s32 v53, v33;
	v51 =	vld [tilespmem:s26+$0x0];
	s28 =	spop (v2sf);
	(v2sf) =	vpush v29, $0xF  }
0x140: {  	v56 =	vxor.u32 v27, v56;
	v27 =	vxor.u32 v27, v57;
	v54 =	vld [tilespmem:s28+$0x0];
	s29 =	spop (v2sf);
	(v2sf) =	vpush v28, $0xF  }
0x141: {  	v18 =	vadd.s32 v56, v18;
	v27 =	vadd.s32 v27, v52;
	v60 =	vxor.u32 v26, v39;
	v57 =	vld [tilespmem:s29+$0x0];
	s30 =	spop (v2sf)  }
0x142: {  	v58 =	vxor.u32 v26, v58;
	v26 =	vxor.u32 v26, v37;
	v18 =	vadd.s32 v60, v18;
	v59 =	vld [tilespmem:s30+$0x0];
	s31 =	spop (v2sf)  }
0x143: {  	v26 =	vadd.s32 v26, v27;
	v62 =	vxor.u32 v25, v41;
	v39 =	vxor.u32 v25, v42;
	v61 =	vld [tilespmem:s31+$0x0];
	s17 =	spop (v2sf)  }
0x144: {  	v28 =	vadd.s32 v58, v55;
	v25 =	vxor.u32 v25, v35;
	v18 =	vadd.s32 v39, v18;
	v63 =	vld [tilespmem:s17+$0x0];
	s18 =	spop (v2sf)  }
0x145: {  	v27 =	vadd.s32 v62, v28;
	v41 =	vxor.u32 v24, v36;
	v36 =	vand.u32 $0xFF, v43;
	v40 =	vld [tilespmem:s18+$0x0];
	s19 =	spop (v2sf)  }
0x146: {  	v25 =	vadd.s32 v25, v26;
	v26 =	vadd.s32 v41, v27;
	v2 =	vadd.s32 v2, v36;
	v42 =	vld [tilespmem:s19+$0x0];
	s20 =	spop (v2sf)  }
0x147: {  	v46 =	vxor.u32 v24, v44;
	v24 =	vxor.u32 v24, v48;
	v2 =	vshll.u32 v2, $0x1;
	v47 =	vld [tilespmem:s20+$0x0];
	s21 =	spop (v2sf)  }
0x148: {  	v18 =	vadd.s32 v46, v18;
	v24 =	vadd.s32 v24, v25;
	v2 =	vsub.s32 $0x3FF, v2;
	v48 =	vld [tilespmem:s21+$0x0];
	s22 =	spop (v2sf)  }
0x149: {  	v50 =	vxor.u32 v23, v51;
	v52 =	vxor.u32 v23, v54;
	v2 =	vcvt.s32.f32 v2;
	v51 =	vld [tilespmem:s22+$0x0];
	s23 =	spop (v2sf)  }
0x14a: {  	v25 =	vadd.s32 v50, v26;
	v18 =	vadd.s32 v52, v18;
	v23 =	vxor.u32 v23, v57;
	v53 =	vld [tilespmem:s23+$0x0];
	s24 =	spop (v2sf)  }
0x14b: {  	v23 =	vadd.s32 v23, v24;
	v55 =	vxor.u32 v22, v59;
	v2 =	vmin.f32 v2, $1.000000000e+00;
	v54 =	vld [tilespmem:s24+$0x0];
	s25 =	spop (v2sf)  }
0x14c: {  	v57 =	vadd.s32 v55, v25;
	v58 =	vxor.u32 v22, v61;
	v22 =	vxor.u32 v22, v63;
	v56 =	vld [tilespmem:s25+$0x0];
	s26 =	spop (v2sf)  }
0x14d: {  	v18 =	vadd.s32 v58, v18;
	v60 =	vxor.u32 v6, v40;
	v22 =	vadd.s32 v22, v23;
	s28 =	spop (v2sf);
	v59 =	vld [tilespmem:s26+$0x0]  }
0x14e: {  	v10 =	vadd.s32 v60, v57;
	v62 =	vxor.u32 v6, v42;
	v60 =	vshll.u32 v5, $0x1;
	s29 =	spop (v2sf);
	v61 =	vld [tilespmem:s28+$0x0]  }
0x14f: {  	v18 =	vadd.s32 v62, v18;
	v6 =	vxor.u32 v6, v47;
	v33 =	vxor.u32 v21, v48;
	s30 =	spop (v2sf);
	v63 =	vld [tilespmem:s29+$0x0]  }
0x150: {  	v6 =	vadd.s32 v6, v22;
	v10 =	vadd.s32 v33, v10;
	v35 =	vxor.u32 v21, v51;
	v34 =	vld [tilespmem:s30+$0x0]  }
0x151: {  	v18 =	vadd.s32 v35, v18;
	v21 =	vxor.u32 v21, v53;
	v36 =	vxor.u32 v20, v54  }
0x152: {  	v6 =	vadd.s32 v21, v6;
	v10 =	vadd.s32 v36, v10;
	v37 =	vxor.u32 v20, v56  }
0x153: {  	v18 =	vadd.s32 v37, v18;
	v20 =	vxor.u32 v20, v59;
	v38 =	vxor.u32 v19, v61  }
0x154: {  	v6 =	vadd.s32 v20, v6;
	v61 =	vmax.f32 v2, $-1.000000000e+00;
	v39 =	vxor.u32 v19, v63  }
0x155: {  	v10 =	vadd.s32 v38, v10;
	v19 =	vxor.u32 v19, v34;
	v18 =	vadd.s32 v39, v18  }
0x156: {  	v40 =	vshrl.u32 v10, $0x8;
	v41 =	vshrl.u32 v10, $0x10;
	v46 =	vand.u32 $0xFF, v10  }
0x157: {  	v10 =	vshrl.u32 v10, $0x18;
	v6 =	vadd.s32 v19, v6;
	v42 =	vshrl.u32 v18, $0x8  }
0x158: {  	v43 =	vshrl.u32 v18, $0x10;
	v19 =	vand.u32 $0xFF, v40;
	v20 =	vand.u32 $0xFF, v41  }
0x159: {  	v47 =	vand.u32 $0xFF, v18;
	v18 =	vshrl.u32 v18, $0x18;
	v17 =	vadd.s32 v17, v46  }
0x15a: {  	v10 =	vadd.s32 v12, v10;
	v44 =	vshrl.u32 v6, $0x8;
	v45 =	vshrl.u32 v6, $0x10  }
0x15b: {  	v21 =	vand.u32 $0xFF, v42;
	v22 =	vand.u32 $0xFF, v43;
	v48 =	vand.u32 $0xFF, v6  }
0x15c: {  	v6 =	vshrl.u32 v6, $0x18;
	v3 =	vadd.s32 v3, v19;
	v4 =	vadd.s32 v4, v20  }
0x15d: {  	v49 =	vshll.u32 v17, $0x1;
	v8 =	vadd.s32 v8, v47;
	v13 =	vadd.s32 v13, v18  }
0x15e: {  	v10 =	vshll.u32 v10, $0x1;
	v23 =	vand.u32 $0xFF, v44;
	v24 =	vand.u32 $0xFF, v45  }
0x15f: {  	v7 =	vadd.s32 v7, v21;
	v16 =	vadd.s32 v16, v22;
	v12 =	vsub.s32 $0x3FF, v49  }
0x160: {  	v14 =	vadd.s32 v14, v48;
	v3 =	vshll.u32 v3, $0x1;
	v6 =	vadd.s32 v9, v6  }
0x161: {  	v4 =	vshll.u32 v4, $0x1;
	v10 =	vsub.s32 $0x3FF, v10;
	v8 =	vshll.u32 v8, $0x1  }
0x162: {  	v13 =	vshll.u32 v13, $0x1;
	v15 =	vadd.s32 v15, v23;
	v11 =	vadd.s32 v11, v24  }
0x163: {  	v12 =	vcvt.s32.f32 v12;
	v3 =	vsub.s32 $0x3FF, v3;
	v4 =	vsub.s32 $0x3FF, v4  }
0x164: {  	v10 =	vcvt.s32.f32 v10;
	v8 =	vsub.s32 $0x3FF, v8;
	v7 =	vshll.u32 v7, $0x1  }
0x165: {  	v51 =	vshll.u32 v16, $0x1;
	v13 =	vsub.s32 $0x3FF, v13;
	v14 =	vshll.u32 v14, $0x1  }
0x166: {  	s31 =	sshll.u32 s15, $0x8;
	v6 =	vshll.u32 v6, $0x1;
	v3 =	vcvt.s32.f32 v3;
	v4 =	vcvt.s32.f32 v4  }
0x167: {  	s16 =	sand.u32 $0x3FFFFF00, s31;
	v8 =	vcvt.s32.f32 v8;
	v7 =	vsub.s32 $0x3FF, v7;
	v13 =	vcvt.s32.f32 v13  }
0x168: {  	[tilespmem:s16+$0x70C0] =	vst v1;
	v53 =	vsub.s32 $0x3FF, v14;
	v54 =	vshll.u32 v15, $0x1;
	v11 =	vshll.u32 v11, $0x1  }
0x169: {  	[tilespmem:s16+$0x70F0] =	vst v0;
	v6 =	vsub.s32 $0x3FF, v6;
	v50 =	vmin.f32 v12, $1.000000000e+00;
	v10 =	vmin.f32 v10, $1.000000000e+00  }
0x16a: {  	[tilespmem:s16+$0x70D0] =	vst v61;
	v12 =	vsub.s32 $0x3FF, v51;
	v7 =	vcvt.s32.f32 v7;
	v9 =	vmax.f32 v50, $-1.000000000e+00  }
0x16b: {  	v55 =	vcvt.s32.f32 v53;
	v3 =	vmin.f32 v3, $1.000000000e+00;
	v10 =	vmax.f32 v10, $-1.000000000e+00;
	[tilespmem:s16+$0x7000] =	vst v9  }
0x16c: {  	v56 =	vsub.s32 $0x3FF, v54;
	v4 =	vmin.f32 v4, $1.000000000e+00;
	v3 =	vmax.f32 v3, $-1.000000000e+00;
	[tilespmem:s16+$0x7030] =	vst v10  }
0x16d: {  	v11 =	vsub.s32 $0x3FF, v11;
	v8 =	vmin.f32 v8, $1.000000000e+00;
	v4 =	vmax.f32 v4, $-1.000000000e+00;
	[tilespmem:s16+$0x7010] =	vst v3  }
0x16e: {  	v6 =	vcvt.s32.f32 v6;
	v52 =	vmin.f32 v13, $1.000000000e+00;
	v8 =	vmax.f32 v8, $-1.000000000e+00;
	[tilespmem:s16+$0x7020] =	vst v4  }
0x16f: {  	v12 =	vcvt.s32.f32 v12;
	v7 =	vmin.f32 v7, $1.000000000e+00;
	v9 =	vmax.f32 v52, $-1.000000000e+00;
	[tilespmem:s16+$0x7040] =	vst v8  }
0x170: {  	v57 =	vcvt.s32.f32 v56;
	v7 =	vmax.f32 v7, $-1.000000000e+00;
	v3 =	vmin.f32 v55, $1.000000000e+00;
	[tilespmem:s16+$0x7070] =	vst v9  }
0x171: {  	s15 =	sadd.s32 $0x1, s15;
	v58 =	vcvt.s32.f32 v11;
	v6 =	vmin.f32 v6, $1.000000000e+00;
	[tilespmem:s16+$0x7050] =	vst v7;
	v3 =	vmax.f32 v3, $-1.000000000e+00  }
0x172: {  	p0 =	sne.s32 s15, $0x10;
	v12 =	vmin.f32 v12, $1.000000000e+00;
	v6 =	vmax.f32 v6, $-1.000000000e+00;
	[tilespmem:s16+$0x7080] =	vst v3;
	v3 =	vsub.s32 $0x3FF, v60  }
.Ltmp2:
0x173: {  	v4 =	vmin.f32 v57, $1.000000000e+00;
	v12 =	vmax.f32 v12, $-1.000000000e+00;
	[tilespmem:s16+$0x70B0] =	vst v6;
	v3 =	vcvt.s32.f32 v3;
	(pc) =	sbr.rel @p0 .LBB2_2-.Ltmp2, $4  }
0x174: {  	v59 =	vmin.f32 v58, $1.000000000e+00;
	v4 =	vmax.f32 v4, $-1.000000000e+00;
	[tilespmem:s16+$0x7060] =	vst v12  }
0x175: {  	v7 =	vmax.f32 v59, $-1.000000000e+00;
	[tilespmem:s16+$0x7090] =	vst v4;
	v62 =	vmin.f32 v3, $1.000000000e+00  }
0x176: {  	[tilespmem:s16+$0x70A0] =	vst v7;
	v63 =	vmax.f32 v62, $-1.000000000e+00  }
0x177: {  	[tilespmem:s16+$0x70E0] =	vst v63  }
0x178: {  	s14 =	sadd.s32 $0x1, s14  }
0x179: {  	p0 =	sne.s32 s14, s7  }
.Ltmp3:
0x17a: {  	_ = 	snop;
	(pc) =	sbr.rel @p0 .LBB2_1-.Ltmp3, $4  }
0x17b: {  	[hbm4b:s6+s2] =	stream.linear.scatter [tilespmem:s13], [sflag:$0x1], $0x1000, $0x38;
	[tilespmem:$0x8000] =	vst v63  }
0x17c: {  	_ =	swait.ge [sflag:s11], $0x1000  }
0x17d: {  	[sflag:s11] =	ssyncset.done $0x0  }
0x17e: {  	[sflag:s11] =	ssyncadd.s32 $0xFFFFF000  }
0x17f: {  	_ =	sfence.sel $0x180000  }
0x180: {  	[bflag:$0x0] =	sbarrier.arrive $0xFFFF  }
0x181: {  	p0 =	sne.s32 s1, $0x0;
	_ =	strace $0x90000047  }
0x182: {  	s0 =	sadd.s32 @!p0 $0x100000, s0;
	[bflag:$0x2] =	sbarrier.arrive $0xFFFF  }
0x183: {  	[sflag:s0] =	ssyncadd.tile.s32 @!p0 $0x1;
	_ =	shalt  }
.Lfunc_end2:
_tile_overlayer_lowered:
.L_overlay_start_2:
0x184: {  	(tag) =	ssettag $0x2  }
0x185: {  	s0 =	rddreg [dreg:$0x0];
	s2 =	stileid.u32  }
0x186: {  	s1 =	rddreg [dreg:$0x1];
	p0 =	sne.s32 s2, $0x0  }
0x187: {  	s3 =	rddreg [dreg:$0x2];
	[bflag:$0x3] =	sbarrier.arrive $0xFFFF;
	s2 =	simm.s32 @!p0 $0x1C01  }
0x188: {  	[timem:s3], [sflag:s2] =	dma.local @!p0 [hbm:s0], s1  }
0x189: {  	s0 =	simm.s32 @!p0 $0x1  }
0x18a: {  	_ =	swait.ge @!p0 [sflag:s0], s1  }
0x18b: {  	s1 =	ssub.s32 @!p0 $0x0, s1;
	[sflag:s0] =	ssyncset.done @!p0 $0x0  }
0x18c: {  	[sflag:s0] =	ssyncadd.s32 @!p0 s1  }
0x18d: {  	[bflag:$0x3] =	sbarrier.arrive $0xFFFF  }
0x18e: {  	_ =	shalt  }

</sc_bundles>
